<compile_context>
chip_gen: v7x
topology: tpu7x:2x2x1
jax: 0.10.2.dev20260603
libtpu: 0.0.44.dev20260713+nightly
codegen_flags: <defaults>
</compile_context>

<pallas_src>
import functools

import jax
import jax.numpy as jnp
from jax import lax
from jax.experimental import pallas as pl
from jax.experimental.pallas import tpu as pltpu
from jax.experimental.pallas import tpu_sc as plsc

N_NODES = 10000
N_EDGES = 320000
D_FEAT = 128

_NC = 2
_NS = 16
_NW = _NC * _NS

_EPW = N_EDGES // _NW
_B = 128
_NB = _EPW // _B
_TAIL = _EPW - _NB * _B
_RPT = 624
_RPT_EXTRA = N_NODES - _NS * _RPT


def _sc_scatter_gather(x_hbm, src_hbm, dst_hbm, part_hbm,
                       sidx0, sidx1, didx0, didx1, rows0, rows1,
                       sidx_t, didx_t, rows_t, acc,
                       gsem0, gsem1, isem0, isem1, tsem):
    c = lax.axis_index("c")
    s = lax.axis_index("s")
    wid = s * _NC + c
    ebase = wid * _EPW

    sidx = (sidx0, sidx1)
    didx = (didx0, didx1)
    rows = (rows0, rows1)
    gsem = (gsem0, gsem1)
    isem = (isem0, isem1)

    def idx_start(j, b):
        off = ebase + j * _B
        pltpu.async_copy(src_hbm.at[pl.ds(off, _B)], sidx[b], isem[b])
        pltpu.async_copy(dst_hbm.at[pl.ds(off, _B)], didx[b], isem[b])

    def idx_wait(j, b):
        off = ebase + j * _B
        pltpu.make_async_copy(src_hbm.at[pl.ds(off, _B)], sidx[b], isem[b]).wait()
        pltpu.make_async_copy(dst_hbm.at[pl.ds(off, _B)], didx[b], isem[b]).wait()

    def gather_start(b):
        pltpu.async_copy(x_hbm.at[sidx[b]], rows[b], gsem[b])

    def gather_wait(b):
        pltpu.make_async_copy(x_hbm.at[sidx[b]], rows[b], gsem[b]).wait()

    def scatter(b):
        pltpu.sync_copy(rows[b], acc.at[didx[b]], add=True)

    idx_start(0, 0)
    idx_start(1, 1)

    zero16 = jnp.zeros((16,), jnp.float32)
    def zrow(r, carry):
        for k in range(D_FEAT // 16):
            rows0[r, pl.ds(k * 16, 16)] = zero16
        return carry
    lax.fori_loop(0, _B, zrow, 0)
    z0 = s * _RPT
    for k in range(_RPT // _B):
        pltpu.sync_copy(rows0, acc.at[pl.ds(z0 + k * _B, _B)])
    rem = _RPT - (_RPT // _B) * _B
    if rem:
        pltpu.sync_copy(rows0.at[pl.ds(0, rem)],
                        acc.at[pl.ds(z0 + (_RPT // _B) * _B, rem)])

    @pl.when(s == _NS - 1)
    def _zero_extra():
        pltpu.sync_copy(rows0.at[pl.ds(0, _RPT_EXTRA)],
                        acc.at[pl.ds(_NS * _RPT, _RPT_EXTRA)])

    idx_wait(0, 0)
    gather_start(0)
    plsc.subcore_barrier()

    def group(g, carry):
        for b in range(2):
            j = 2 * g + b
            idx_wait(j + 1, 1 - b)
            gather_start(1 - b)
            gather_wait(b)
            scatter(b)
            idx_start(j + 2, b)
        return carry
    lax.fori_loop(0, (_NB - 2) // 2, group, 0)

    idx_wait(_NB - 1, 1)
    gather_start(1)
    gather_wait(0)
    scatter(0)
    gather_wait(1)
    scatter(1)

    if _TAIL:
        off = ebase + _NB * _B
        pltpu.sync_copy(src_hbm.at[pl.ds(off, _TAIL)], sidx_t)
        pltpu.sync_copy(dst_hbm.at[pl.ds(off, _TAIL)], didx_t)
        pltpu.async_copy(x_hbm.at[sidx_t], rows_t, tsem).wait()
        pltpu.sync_copy(rows_t, acc.at[didx_t], add=True)

    plsc.subcore_barrier()

    pltpu.sync_copy(acc.at[pl.ds(z0, _RPT)], part_hbm.at[c, pl.ds(z0, _RPT)])

    @pl.when(s == _NS - 1)
    def _write_extra():
        pltpu.sync_copy(acc.at[pl.ds(_NS * _RPT, _RPT_EXTRA)],
                        part_hbm.at[c, pl.ds(_NS * _RPT, _RPT_EXTRA)])


def _combine_body(p_ref, o_ref):
    o_ref[...] = p_ref[0] + p_ref[1]


def kernel(x, edge_index):
    assert x.shape == (N_NODES, D_FEAT)
    src = edge_index[0].astype(jnp.int32)
    dst = edge_index[1].astype(jnp.int32)

    mesh = plsc.VectorSubcoreMesh(core_axis_name="c", subcore_axis_name="s")
    sc_call = pl.kernel(
        _sc_scatter_gather,
        out_type=jax.ShapeDtypeStruct((_NC, N_NODES, D_FEAT), jnp.float32),
        mesh=mesh,
        scratch_types=[
            pltpu.VMEM((_B,), jnp.int32),
            pltpu.VMEM((_B,), jnp.int32),
            pltpu.VMEM((_B,), jnp.int32),
            pltpu.VMEM((_B,), jnp.int32),
            pltpu.VMEM((_B, D_FEAT), jnp.float32),
            pltpu.VMEM((_B, D_FEAT), jnp.float32),
            pltpu.VMEM((_TAIL,), jnp.int32),
            pltpu.VMEM((_TAIL,), jnp.int32),
            pltpu.VMEM((_TAIL, D_FEAT), jnp.float32),
            pltpu.VMEM_SHARED((N_NODES, D_FEAT), jnp.float32),
            pltpu.SemaphoreType.DMA,
            pltpu.SemaphoreType.DMA,
            pltpu.SemaphoreType.DMA,
            pltpu.SemaphoreType.DMA,
            pltpu.SemaphoreType.DMA,
        ],
    )
    partials = sc_call(x, src, dst)

    blk = 1000
    out = pl.pallas_call(
        _combine_body,
        out_shape=jax.ShapeDtypeStruct((N_NODES, D_FEAT), jnp.float32),
        grid=(N_NODES // blk,),
        in_specs=[pl.BlockSpec((_NC, blk, D_FEAT), lambda i: (0, i, 0))],
        out_specs=pl.BlockSpec((blk, D_FEAT), lambda i: (i, 0)),
    )(partials)
    return out

# --- scband reference (transcript-rebuilt; emitter-appended) ---
"""Pipeline reference for scband-message-passing-32280974197134 (READ-ONLY COPY).

The authoritative reference and input builder live on the scoring server;
editing this copy changes nothing except your own understanding.
"""

import jax, jax.numpy as jnp
import numpy as np

N_NODES = 10000
N_EDGES = 320000
D_FEAT = 128

def setup_inputs(seed: int = 0) -> dict:
    key = jax.random.key(seed)
    k1, k2 = jax.random.split(key)
    x = jax.random.normal(k1, (N_NODES, D_FEAT), dtype=jnp.float32)
    edge_index = jax.random.randint(k2, (2, N_EDGES), 0, N_NODES, dtype=jnp.int64)
    return {"x": x, "edge_index": edge_index}

def reference(x, edge_index):
    # MessagePassing with aggr='add', flow='source_to_target':
    # message(x_j) = x gathered at source nodes (edge_index[0]),
    # aggregate = scatter-add into target nodes (edge_index[1]).
    src = edge_index[0]
    dst = edge_index[1]
    msgs = jnp.take(x, src, axis=0)            # gather: message step
    out = jax.ops.segment_sum(msgs, dst, num_segments=x.shape[0])  # scatter-add: aggregate step
    return out

if __name__ == "__main__":
    import jax
    _d = setup_inputs()
    print(jax.jit(kernel)(*tuple(_d.values())))

</pallas_src>

<mosaic_0001>
#map = affine_map<(d0, d1) -> (0, 0)>
#map1 = affine_map<(d0, d1) -> (0)>
#map2 = affine_map<(d0, d1) -> (0, 0, 0)>
module attributes {stable_mosaic.version = 14 : i64} {
  func.func @_sc_scatter_gather(%arg0: i32, %arg1: i32, %arg2: memref<10000x128xf32, #tpu.memory_space<hbm>>, %arg3: memref<320000xi32, #tpu.memory_space<hbm>>, %arg4: memref<320000xi32, #tpu.memory_space<hbm>>, %arg5: memref<2x10000x128xf32, #tpu.memory_space<hbm>>, %arg6: memref<128xi32, #tpu.memory_space<vmem>>, %arg7: memref<128xi32, #tpu.memory_space<vmem>>, %arg8: memref<128xi32, #tpu.memory_space<vmem>>, %arg9: memref<128xi32, #tpu.memory_space<vmem>>, %arg10: memref<128x128xf32, #tpu.memory_space<vmem>>, %arg11: memref<128x128xf32, #tpu.memory_space<vmem>>, %arg12: memref<16xi32, #tpu.memory_space<vmem>>, %arg13: memref<16xi32, #tpu.memory_space<vmem>>, %arg14: memref<16x128xf32, #tpu.memory_space<vmem>>, %arg15: memref<10000x128xf32, #tpu.memory_space<vmem_shared>>, %arg16: memref<!tpu.dma_semaphore, #tpu.memory_space<semaphore_mem>>, %arg17: memref<!tpu.dma_semaphore, #tpu.memory_space<semaphore_mem>>, %arg18: memref<!tpu.dma_semaphore, #tpu.memory_space<semaphore_mem>>, %arg19: memref<!tpu.dma_semaphore, #tpu.memory_space<semaphore_mem>>, %arg20: memref<!tpu.dma_semaphore, #tpu.memory_space<semaphore_mem>>) attributes {dimension_semantics = [#tpu.dimension_semantics<core_parallel>, #tpu.dimension_semantics<subcore_parallel>], iteration_bounds = array<i64: 2, 16>, scalar_prefetch = 0 : i64, scratch_operands = 15 : i64, tpu.core_type = #tpu.core_type<sc_vector_subcore>, window_params = [{transform_indices = #map}, {transform_indices = #map1}, {transform_indices = #map1}, {transform_indices = #map2}]} {
    %mul3A = arith.constant 2 : i32
    %mul3A_0 = arith.muli %arg1, %mul3A : i32
    %add3A = arith.addi %mul3A_0, %arg0 : i32
    %mul3A_1 = arith.constant 10000 : i32
    %mul3A_2 = arith.muli %add3A, %mul3A_1 : i32
    %add3A_3 = arith.constant 0 : i32
    %add3A_4 = arith.addi %mul3A_2, %add3A_3 : i32
    %dma_start3A = tpu.memref_slice %arg3[%add3A_4] : memref<320000xi32, #tpu.memory_space<hbm>> -> memref<128xi32, #tpu.memory_space<hbm>>
    %dma_start3A_5 = tpu.memref_slice %arg3[%add3A_4] : memref<320000xi32, #tpu.memory_space<hbm>> -> memref<128xi32, #tpu.memory_space<hbm>>
    tpu.enqueue_dma source(%dma_start3A_5 : memref<128xi32, #tpu.memory_space<hbm>>) target(%arg6 : memref<128xi32, #tpu.memory_space<vmem>>) target_semaphore(%arg18 : memref<!tpu.dma_semaphore, #tpu.memory_space<semaphore_mem>>)
    %dma_start3A_6 = tpu.memref_slice %arg4[%add3A_4] : memref<320000xi32, #tpu.memory_space<hbm>> -> memref<128xi32, #tpu.memory_space<hbm>>
    %dma_start3A_7 = tpu.memref_slice %arg4[%add3A_4] : memref<320000xi32, #tpu.memory_space<hbm>> -> memref<128xi32, #tpu.memory_space<hbm>>
    tpu.enqueue_dma source(%dma_start3A_7 : memref<128xi32, #tpu.memory_space<hbm>>) target(%arg8 : memref<128xi32, #tpu.memory_space<vmem>>) target_semaphore(%arg18 : memref<!tpu.dma_semaphore, #tpu.memory_space<semaphore_mem>>)
    %add3A_8 = arith.constant 128 : i32
    %add3A_9 = arith.addi %mul3A_2, %add3A_8 : i32
    %dma_start3A_10 = tpu.memref_slice %arg3[%add3A_9] : memref<320000xi32, #tpu.memory_space<hbm>> -> memref<128xi32, #tpu.memory_space<hbm>>
    %dma_start3A_11 = tpu.memref_slice %arg3[%add3A_9] : memref<320000xi32, #tpu.memory_space<hbm>> -> memref<128xi32, #tpu.memory_space<hbm>>
    tpu.enqueue_dma source(%dma_start3A_11 : memref<128xi32, #tpu.memory_space<hbm>>) target(%arg7 : memref<128xi32, #tpu.memory_space<vmem>>) target_semaphore(%arg19 : memref<!tpu.dma_semaphore, #tpu.memory_space<semaphore_mem>>)
    %dma_start3A_12 = tpu.memref_slice %arg4[%add3A_9] : memref<320000xi32, #tpu.memory_space<hbm>> -> memref<128xi32, #tpu.memory_space<hbm>>
    %dma_start3A_13 = tpu.memref_slice %arg4[%add3A_9] : memref<320000xi32, #tpu.memory_space<hbm>> -> memref<128xi32, #tpu.memory_space<hbm>>
    tpu.enqueue_dma source(%dma_start3A_13 : memref<128xi32, #tpu.memory_space<hbm>>) target(%arg9 : memref<128xi32, #tpu.memory_space<vmem>>) target_semaphore(%arg19 : memref<!tpu.dma_semaphore, #tpu.memory_space<semaphore_mem>>)
    %broadcast_in_dim3A = arith.constant 0.000000e+00 : f32
    %broadcast_in_dim3A_14 = vector.broadcast %broadcast_in_dim3A : f32 to vector<16xf32>
    %scan3A = arith.constant 0 : i32
    %scan3A_15 = arith.constant 0 : i32
    %scan3A_16 = arith.constant 128 : i32
    %scan3A_17 = arith.addi %scan3A_15, %scan3A_16 : i32
    %scan3A_18 = arith.constant 1 : i32
    scf.for %scan3A_77 = %scan3A_15 to %scan3A_17 step %scan3A_18  : i32 {
      %swap3A = arith.index_cast %scan3A_77 : i32 to index
      %swap3A_78 = arith.constant 0 : index
      %swap3A_79 = tpu.vector_load %arg10[%swap3A, %swap3A_78] {strides = array<i32>} : memref<128x128xf32, #tpu.memory_space<vmem>>, vector<1x16xf32>,
      %swap3A_80 = vector.shape_cast %swap3A_79 : vector<1x16xf32> to vector<16xf32>
      %swap3A_81 = vector.shape_cast %broadcast_in_dim3A_14 : vector<16xf32> to vector<1x16xf32>
      tpu.vector_store %arg10[%swap3A, %swap3A_78], %swap3A_81 {strides = array<i32>} : memref<128x128xf32, #tpu.memory_space<vmem>>, vector<1x16xf32>,
      %swap3A_82 = arith.index_cast %scan3A_77 : i32 to index
      %swap3A_83 = arith.constant 16 : index
      %swap3A_84 = tpu.vector_load %arg10[%swap3A_82, %swap3A_83] {strides = array<i32>} : memref<128x128xf32, #tpu.memory_space<vmem>>, vector<1x16xf32>,
      %swap3A_85 = vector.shape_cast %swap3A_84 : vector<1x16xf32> to vector<16xf32>
      %swap3A_86 = vector.shape_cast %broadcast_in_dim3A_14 : vector<16xf32> to vector<1x16xf32>
      tpu.vector_store %arg10[%swap3A_82, %swap3A_83], %swap3A_86 {strides = array<i32>} : memref<128x128xf32, #tpu.memory_space<vmem>>, vector<1x16xf32>,
      %swap3A_87 = arith.index_cast %scan3A_77 : i32 to index
      %swap3A_88 = arith.constant 32 : index
      %swap3A_89 = tpu.vector_load %arg10[%swap3A_87, %swap3A_88] {strides = array<i32>} : memref<128x128xf32, #tpu.memory_space<vmem>>, vector<1x16xf32>,
      %swap3A_90 = vector.shape_cast %swap3A_89 : vector<1x16xf32> to vector<16xf32>
      %swap3A_91 = vector.shape_cast %broadcast_in_dim3A_14 : vector<16xf32> to vector<1x16xf32>
      tpu.vector_store %arg10[%swap3A_87, %swap3A_88], %swap3A_91 {strides = array<i32>} : memref<128x128xf32, #tpu.memory_space<vmem>>, vector<1x16xf32>,
      %swap3A_92 = arith.index_cast %scan3A_77 : i32 to index
      %swap3A_93 = arith.constant 48 : index
      %swap3A_94 = tpu.vector_load %arg10[%swap3A_92, %swap3A_93] {strides = array<i32>} : memref<128x128xf32, #tpu.memory_space<vmem>>, vector<1x16xf32>,
      %swap3A_95 = vector.shape_cast %swap3A_94 : vector<1x16xf32> to vector<16xf32>
      %swap3A_96 = vector.shape_cast %broadcast_in_dim3A_14 : vector<16xf32> to vector<1x16xf32>
      tpu.vector_store %arg10[%swap3A_92, %swap3A_93], %swap3A_96 {strides = array<i32>} : memref<128x128xf32, #tpu.memory_space<vmem>>, vector<1x16xf32>,
      %swap3A_97 = arith.index_cast %scan3A_77 : i32 to index
      %swap3A_98 = arith.constant 64 : index
      %swap3A_99 = tpu.vector_load %arg10[%swap3A_97, %swap3A_98] {strides = array<i32>} : memref<128x128xf32, #tpu.memory_space<vmem>>, vector<1x16xf32>,
      %swap3A_100 = vector.shape_cast %swap3A_99 : vector<1x16xf32> to vector<16xf32>
      %swap3A_101 = vector.shape_cast %broadcast_in_dim3A_14 : vector<16xf32> to vector<1x16xf32>
      tpu.vector_store %arg10[%swap3A_97, %swap3A_98], %swap3A_101 {strides = array<i32>} : memref<128x128xf32, #tpu.memory_space<vmem>>, vector<1x16xf32>,
      %swap3A_102 = arith.index_cast %scan3A_77 : i32 to index
      %swap3A_103 = arith.constant 80 : index
      %swap3A_104 = tpu.vector_load %arg10[%swap3A_102, %swap3A_103] {strides = array<i32>} : memref<128x128xf32, #tpu.memory_space<vmem>>, vector<1x16xf32>,
      %swap3A_105 = vector.shape_cast %swap3A_104 : vector<1x16xf32> to vector<16xf32>
      %swap3A_106 = vector.shape_cast %broadcast_in_dim3A_14 : vector<16xf32> to vector<1x16xf32>
      tpu.vector_store %arg10[%swap3A_102, %swap3A_103], %swap3A_106 {strides = array<i32>} : memref<128x128xf32, #tpu.memory_space<vmem>>, vector<1x16xf32>,
      %swap3A_107 = arith.index_cast %scan3A_77 : i32 to index
      %swap3A_108 = arith.constant 96 : index
      %swap3A_109 = tpu.vector_load %arg10[%swap3A_107, %swap3A_108] {strides = array<i32>} : memref<128x128xf32, #tpu.memory_space<vmem>>, vector<1x16xf32>,
      %swap3A_110 = vector.shape_cast %swap3A_109 : vector<1x16xf32> to vector<16xf32>
      %swap3A_111 = vector.shape_cast %broadcast_in_dim3A_14 : vector<16xf32> to vector<1x16xf32>
      tpu.vector_store %arg10[%swap3A_107, %swap3A_108], %swap3A_111 {strides = array<i32>} : memref<128x128xf32, #tpu.memory_space<vmem>>, vector<1x16xf32>,
      %swap3A_112 = arith.index_cast %scan3A_77 : i32 to index
      %swap3A_113 = arith.constant 112 : index
      %swap3A_114 = tpu.vector_load %arg10[%swap3A_112, %swap3A_113] {strides = array<i32>} : memref<128x128xf32, #tpu.memory_space<vmem>>, vector<1x16xf32>,
      %swap3A_115 = vector.shape_cast %swap3A_114 : vector<1x16xf32> to vector<16xf32>
      %swap3A_116 = vector.shape_cast %broadcast_in_dim3A_14 : vector<16xf32> to vector<1x16xf32>
      tpu.vector_store %arg10[%swap3A_112, %swap3A_113], %swap3A_116 {strides = array<i32>} : memref<128x128xf32, #tpu.memory_space<vmem>>, vector<1x16xf32>,
    }
    %scan3A_19 = arith.constant 128 : i32
    %mul3A_20 = arith.constant 624 : i32
    %mul3A_21 = arith.muli %arg1, %mul3A_20 : i32
    %add3A_22 = arith.constant 0 : i32
    %add3A_23 = arith.addi %mul3A_21, %add3A_22 : i32
    "tpu.region"() ({
      %run_scoped3A = tpu.sem_alloc : memref<!tpu.dma_semaphore, #tpu.memory_space<semaphore_mem>>
      %dma_start3A_77 = arith.constant 0 : i32
      %dma_start3A_78 = tpu.memref_slice %arg15[%add3A_23, %dma_start3A_77] : memref<10000x128xf32, #tpu.memory_space<vmem_shared>> -> memref<128x128xf32, #tpu.memory_space<vmem_shared>>
      %dma_start3A_79 = arith.constant 0 : i32
      %dma_start3A_80 = tpu.memref_slice %arg15[%add3A_23, %dma_start3A_79] : memref<10000x128xf32, #tpu.memory_space<vmem_shared>> -> memref<128x128xf32, #tpu.memory_space<vmem_shared>>
      tpu.enqueue_dma source(%arg10 : memref<128x128xf32, #tpu.memory_space<vmem>>) target(%dma_start3A_80 : memref<128x128xf32, #tpu.memory_space<vmem_shared>>) target_semaphore(%run_scoped3A : memref<!tpu.dma_semaphore, #tpu.memory_space<semaphore_mem>>)
      %dma_wait3A_81 = arith.constant 0 : i32
      %dma_wait3A_82 = tpu.memref_slice %arg15[%add3A_23, %dma_wait3A_81] : memref<10000x128xf32, #tpu.memory_space<vmem_shared>> -> memref<128x128xf32, #tpu.memory_space<vmem_shared>>
      %dma_wait3A_83 = arith.constant 0 : i32
      %dma_wait3A_84 = tpu.memref_slice %arg15[%add3A_23, %dma_wait3A_83] : memref<10000x128xf32, #tpu.memory_space<vmem_shared>> -> memref<128x128xf32, #tpu.memory_space<vmem_shared>>
      tpu.wait_dma2 semaphore(%run_scoped3A : memref<!tpu.dma_semaphore, #tpu.memory_space<semaphore_mem>>) src(%arg10 : memref<128x128xf32, #tpu.memory_space<vmem>>) dst(%dma_wait3A_84 : memref<128x128xf32, #tpu.memory_space<vmem_shared>>)
      tpu.yield
    }) : () -> ()
    %add3A_24 = arith.constant 128 : i32
    %add3A_25 = arith.addi %mul3A_21, %add3A_24 : i32
    "tpu.region"() ({
      %run_scoped3A = tpu.sem_alloc : memref<!tpu.dma_semaphore, #tpu.memory_space<semaphore_mem>>
      %dma_start3A_77 = arith.constant 0 : i32
      %dma_start3A_78 = tpu.memref_slice %arg15[%add3A_25, %dma_start3A_77] : memref<10000x128xf32, #tpu.memory_space<vmem_shared>> -> memref<128x128xf32, #tpu.memory_space<vmem_shared>>
      %dma_start3A_79 = arith.constant 0 : i32
      %dma_start3A_80 = tpu.memref_slice %arg15[%add3A_25, %dma_start3A_79] : memref<10000x128xf32, #tpu.memory_space<vmem_shared>> -> memref<128x128xf32, #tpu.memory_space<vmem_shared>>
      tpu.enqueue_dma source(%arg10 : memref<128x128xf32, #tpu.memory_space<vmem>>) target(%dma_start3A_80 : memref<128x128xf32, #tpu.memory_space<vmem_shared>>) target_semaphore(%run_scoped3A : memref<!tpu.dma_semaphore, #tpu.memory_space<semaphore_mem>>)
      %dma_wait3A_81 = arith.constant 0 : i32
      %dma_wait3A_82 = tpu.memref_slice %arg15[%add3A_25, %dma_wait3A_81] : memref<10000x128xf32, #tpu.memory_space<vmem_shared>> -> memref<128x128xf32, #tpu.memory_space<vmem_shared>>
      %dma_wait3A_83 = arith.constant 0 : i32
      %dma_wait3A_84 = tpu.memref_slice %arg15[%add3A_25, %dma_wait3A_83] : memref<10000x128xf32, #tpu.memory_space<vmem_shared>> -> memref<128x128xf32, #tpu.memory_space<vmem_shared>>
      tpu.wait_dma2 semaphore(%run_scoped3A : memref<!tpu.dma_semaphore, #tpu.memory_space<semaphore_mem>>) src(%arg10 : memref<128x128xf32, #tpu.memory_space<vmem>>) dst(%dma_wait3A_84 : memref<128x128xf32, #tpu.memory_space<vmem_shared>>)
      tpu.yield
    }) : () -> ()
    %add3A_26 = arith.constant 256 : i32
    %add3A_27 = arith.addi %mul3A_21, %add3A_26 : i32
    "tpu.region"() ({
      %run_scoped3A = tpu.sem_alloc : memref<!tpu.dma_semaphore, #tpu.memory_space<semaphore_mem>>
      %dma_start3A_77 = arith.constant 0 : i32
      %dma_start3A_78 = tpu.memref_slice %arg15[%add3A_27, %dma_start3A_77] : memref<10000x128xf32, #tpu.memory_space<vmem_shared>> -> memref<128x128xf32, #tpu.memory_space<vmem_shared>>
      %dma_start3A_79 = arith.constant 0 : i32
      %dma_start3A_80 = tpu.memref_slice %arg15[%add3A_27, %dma_start3A_79] : memref<10000x128xf32, #tpu.memory_space<vmem_shared>> -> memref<128x128xf32, #tpu.memory_space<vmem_shared>>
      tpu.enqueue_dma source(%arg10 : memref<128x128xf32, #tpu.memory_space<vmem>>) target(%dma_start3A_80 : memref<128x128xf32, #tpu.memory_space<vmem_shared>>) target_semaphore(%run_scoped3A : memref<!tpu.dma_semaphore, #tpu.memory_space<semaphore_mem>>)
      %dma_wait3A_81 = arith.constant 0 : i32
      %dma_wait3A_82 = tpu.memref_slice %arg15[%add3A_27, %dma_wait3A_81] : memref<10000x128xf32, #tpu.memory_space<vmem_shared>> -> memref<128x128xf32, #tpu.memory_space<vmem_shared>>
      %dma_wait3A_83 = arith.constant 0 : i32
      %dma_wait3A_84 = tpu.memref_slice %arg15[%add3A_27, %dma_wait3A_83] : memref<10000x128xf32, #tpu.memory_space<vmem_shared>> -> memref<128x128xf32, #tpu.memory_space<vmem_shared>>
      tpu.wait_dma2 semaphore(%run_scoped3A : memref<!tpu.dma_semaphore, #tpu.memory_space<semaphore_mem>>) src(%arg10 : memref<128x128xf32, #tpu.memory_space<vmem>>) dst(%dma_wait3A_84 : memref<128x128xf32, #tpu.memory_space<vmem_shared>>)
      tpu.yield
    }) : () -> ()
    %add3A_28 = arith.constant 384 : i32
    %add3A_29 = arith.addi %mul3A_21, %add3A_28 : i32
    "tpu.region"() ({
      %run_scoped3A = tpu.sem_alloc : memref<!tpu.dma_semaphore, #tpu.memory_space<semaphore_mem>>
      %dma_start3A_77 = arith.constant 0 : i32
      %dma_start3A_78 = tpu.memref_slice %arg15[%add3A_29, %dma_start3A_77] : memref<10000x128xf32, #tpu.memory_space<vmem_shared>> -> memref<128x128xf32, #tpu.memory_space<vmem_shared>>
      %dma_start3A_79 = arith.constant 0 : i32
      %dma_start3A_80 = tpu.memref_slice %arg15[%add3A_29, %dma_start3A_79] : memref<10000x128xf32, #tpu.memory_space<vmem_shared>> -> memref<128x128xf32, #tpu.memory_space<vmem_shared>>
      tpu.enqueue_dma source(%arg10 : memref<128x128xf32, #tpu.memory_space<vmem>>) target(%dma_start3A_80 : memref<128x128xf32, #tpu.memory_space<vmem_shared>>) target_semaphore(%run_scoped3A : memref<!tpu.dma_semaphore, #tpu.memory_space<semaphore_mem>>)
      %dma_wait3A_81 = arith.constant 0 : i32
      %dma_wait3A_82 = tpu.memref_slice %arg15[%add3A_29, %dma_wait3A_81] : memref<10000x128xf32, #tpu.memory_space<vmem_shared>> -> memref<128x128xf32, #tpu.memory_space<vmem_shared>>
      %dma_wait3A_83 = arith.constant 0 : i32
      %dma_wait3A_84 = tpu.memref_slice %arg15[%add3A_29, %dma_wait3A_83] : memref<10000x128xf32, #tpu.memory_space<vmem_shared>> -> memref<128x128xf32, #tpu.memory_space<vmem_shared>>
      tpu.wait_dma2 semaphore(%run_scoped3A : memref<!tpu.dma_semaphore, #tpu.memory_space<semaphore_mem>>) src(%arg10 : memref<128x128xf32, #tpu.memory_space<vmem>>) dst(%dma_wait3A_84 : memref<128x128xf32, #tpu.memory_space<vmem_shared>>)
      tpu.yield
    }) : () -> ()
    %add3A_30 = arith.constant 512 : i32
    %add3A_31 = arith.addi %mul3A_21, %add3A_30 : i32
    "tpu.region"() ({
      %run_scoped3A = tpu.sem_alloc : memref<!tpu.dma_semaphore, #tpu.memory_space<semaphore_mem>>
      %dma_start3A_77 = arith.constant 0 : i32
      %dma_start3A_78 = arith.constant 0 : i32
      %dma_start3A_79 = tpu.memref_slice %arg10[%dma_start3A_77, %dma_start3A_78] : memref<128x128xf32, #tpu.memory_space<vmem>> -> memref<112x128xf32, #tpu.memory_space<vmem>>
      %dma_start3A_80 = arith.constant 0 : i32
      %dma_start3A_81 = tpu.memref_slice %arg15[%add3A_31, %dma_start3A_80] : memref<10000x128xf32, #tpu.memory_space<vmem_shared>> -> memref<112x128xf32, #tpu.memory_space<vmem_shared>>
      %dma_start3A_82 = arith.constant 0 : i32
      %dma_start3A_83 = tpu.memref_slice %arg15[%add3A_31, %dma_start3A_82] : memref<10000x128xf32, #tpu.memory_space<vmem_shared>> -> memref<112x128xf32, #tpu.memory_space<vmem_shared>>
      %dma_start3A_84 = arith.constant 0 : i32
      %dma_start3A_85 = arith.constant 0 : i32
      %dma_start3A_86 = tpu.memref_slice %arg10[%dma_start3A_84, %dma_start3A_85] : memref<128x128xf32, #tpu.memory_space<vmem>> -> memref<112x128xf32, #tpu.memory_space<vmem>>
      tpu.enqueue_dma source(%dma_start3A_86 : memref<112x128xf32, #tpu.memory_space<vmem>>) target(%dma_start3A_83 : memref<112x128xf32, #tpu.memory_space<vmem_shared>>) target_semaphore(%run_scoped3A : memref<!tpu.dma_semaphore, #tpu.memory_space<semaphore_mem>>)
      %dma_wait3A_87 = arith.constant 0 : i32
      %dma_wait3A_88 = arith.constant 0 : i32
      %dma_wait3A_89 = tpu.memref_slice %arg10[%dma_wait3A_87, %dma_wait3A_88] : memref<128x128xf32, #tpu.memory_space<vmem>> -> memref<112x128xf32, #tpu.memory_space<vmem>>
      %dma_wait3A_90 = arith.constant 0 : i32
      %dma_wait3A_91 = tpu.memref_slice %arg15[%add3A_31, %dma_wait3A_90] : memref<10000x128xf32, #tpu.memory_space<vmem_shared>> -> memref<112x128xf32, #tpu.memory_space<vmem_shared>>
      %dma_wait3A_92 = arith.constant 0 : i32
      %dma_wait3A_93 = tpu.memref_slice %arg15[%add3A_31, %dma_wait3A_92] : memref<10000x128xf32, #tpu.memory_space<vmem_shared>> -> memref<112x128xf32, #tpu.memory_space<vmem_shared>>
      %dma_wait3A_94 = arith.constant 0 : i32
      %dma_wait3A_95 = arith.constant 0 : i32
      %dma_wait3A_96 = tpu.memref_slice %arg10[%dma_wait3A_94, %dma_wait3A_95] : memref<128x128xf32, #tpu.memory_space<vmem>> -> memref<112x128xf32, #tpu.memory_space<vmem>>
      tpu.wait_dma2 semaphore(%run_scoped3A : memref<!tpu.dma_semaphore, #tpu.memory_space<semaphore_mem>>) src(%dma_wait3A_96 : memref<112x128xf32, #tpu.memory_space<vmem>>) dst(%dma_wait3A_93 : memref<112x128xf32, #tpu.memory_space<vmem_shared>>)
      tpu.yield
    }) : () -> ()
    %eq3A = arith.constant 15 : i32
    %eq3A_32 = arith.cmpi eq, %arg1, %eq3A : i32
    %convert_element_type3A = arith.extui %eq3A_32 : i1 to i32
    %cond3A = arith.constant 0 : i32
    %cond3A_33 = arith.cmpi ne, %convert_element_type3A, %cond3A : i32
    scf.if %cond3A_33 {
      "tpu.region"() ({
        %run_scoped3A = tpu.sem_alloc : memref<!tpu.dma_semaphore, #tpu.memory_space<semaphore_mem>>
        %dma_start3A_77 = arith.constant 0 : i32
        %dma_start3A_78 = arith.constant 0 : i32
        %dma_start3A_79 = tpu.memref_slice %arg10[%dma_start3A_77, %dma_start3A_78] : memref<128x128xf32, #tpu.memory_space<vmem>> -> memref<16x128xf32, #tpu.memory_space<vmem>>
        %dma_start3A_80 = arith.constant 9984 : i32
        %dma_start3A_81 = arith.constant 0 : i32
        %dma_start3A_82 = tpu.memref_slice %arg15[%dma_start3A_80, %dma_start3A_81] : memref<10000x128xf32, #tpu.memory_space<vmem_shared>> -> memref<16x128xf32, #tpu.memory_space<vmem_shared>>
        %dma_start3A_83 = arith.constant 9984 : i32
        %dma_start3A_84 = arith.constant 0 : i32
        %dma_start3A_85 = tpu.memref_slice %arg15[%dma_start3A_83, %dma_start3A_84] : memref<10000x128xf32, #tpu.memory_space<vmem_shared>> -> memref<16x128xf32, #tpu.memory_space<vmem_shared>>
        %dma_start3A_86 = arith.constant 0 : i32
        %dma_start3A_87 = arith.constant 0 : i32
        %dma_start3A_88 = tpu.memref_slice %arg10[%dma_start3A_86, %dma_start3A_87] : memref<128x128xf32, #tpu.memory_space<vmem>> -> memref<16x128xf32, #tpu.memory_space<vmem>>
        tpu.enqueue_dma source(%dma_start3A_88 : memref<16x128xf32, #tpu.memory_space<vmem>>) target(%dma_start3A_85 : memref<16x128xf32, #tpu.memory_space<vmem_shared>>) target_semaphore(%run_scoped3A : memref<!tpu.dma_semaphore, #tpu.memory_space<semaphore_mem>>)
        %dma_wait3A_89 = arith.constant 0 : i32
        %dma_wait3A_90 = arith.constant 0 : i32
        %dma_wait3A_91 = tpu.memref_slice %arg10[%dma_wait3A_89, %dma_wait3A_90] : memref<128x128xf32, #tpu.memory_space<vmem>> -> memref<16x128xf32, #tpu.memory_space<vmem>>
        %dma_wait3A_92 = arith.constant 9984 : i32
        %dma_wait3A_93 = arith.constant 0 : i32
        %dma_wait3A_94 = tpu.memref_slice %arg15[%dma_wait3A_92, %dma_wait3A_93] : memref<10000x128xf32, #tpu.memory_space<vmem_shared>> -> memref<16x128xf32, #tpu.memory_space<vmem_shared>>
        %dma_wait3A_95 = arith.constant 9984 : i32
        %dma_wait3A_96 = arith.constant 0 : i32
        %dma_wait3A_97 = tpu.memref_slice %arg15[%dma_wait3A_95, %dma_wait3A_96] : memref<10000x128xf32, #tpu.memory_space<vmem_shared>> -> memref<16x128xf32, #tpu.memory_space<vmem_shared>>
        %dma_wait3A_98 = arith.constant 0 : i32
        %dma_wait3A_99 = arith.constant 0 : i32
        %dma_wait3A_100 = tpu.memref_slice %arg10[%dma_wait3A_98, %dma_wait3A_99] : memref<128x128xf32, #tpu.memory_space<vmem>> -> memref<16x128xf32, #tpu.memory_space<vmem>>
        tpu.wait_dma2 semaphore(%run_scoped3A : memref<!tpu.dma_semaphore, #tpu.memory_space<semaphore_mem>>) src(%dma_wait3A_100 : memref<16x128xf32, #tpu.memory_space<vmem>>) dst(%dma_wait3A_97 : memref<16x128xf32, #tpu.memory_space<vmem_shared>>)
        tpu.yield
      }) : () -> ()
    } else {
    }
    %add3A_34 = arith.constant 0 : i32
    %add3A_35 = arith.addi %mul3A_2, %add3A_34 : i32
    %dma_wait3A = tpu.memref_slice %arg3[%add3A_35] : memref<320000xi32, #tpu.memory_space<hbm>> -> memref<128xi32, #tpu.memory_space<hbm>>
    %dma_wait3A_36 = tpu.memref_slice %arg3[%add3A_35] : memref<320000xi32, #tpu.memory_space<hbm>> -> memref<128xi32, #tpu.memory_space<hbm>>
    tpu.wait_dma2 semaphore(%arg18 : memref<!tpu.dma_semaphore, #tpu.memory_space<semaphore_mem>>) src(%dma_wait3A_36 : memref<128xi32, #tpu.memory_space<hbm>>) dst(%arg6 : memref<128xi32, #tpu.memory_space<vmem>>)
    %dma_wait3A_37 = tpu.memref_slice %arg4[%add3A_35] : memref<320000xi32, #tpu.memory_space<hbm>> -> memref<128xi32, #tpu.memory_space<hbm>>
    %dma_wait3A_38 = tpu.memref_slice %arg4[%add3A_35] : memref<320000xi32, #tpu.memory_space<hbm>> -> memref<128xi32, #tpu.memory_space<hbm>>
    tpu.wait_dma2 semaphore(%arg18 : memref<!tpu.dma_semaphore, #tpu.memory_space<semaphore_mem>>) src(%dma_wait3A_38 : memref<128xi32, #tpu.memory_space<hbm>>) dst(%arg8 : memref<128xi32, #tpu.memory_space<vmem>>)
    %dma_start3A_39 = arith.constant 0 : i32
    %dma_start3A_40 = arith.constant 0 : i32
    %dma_start3A_41 = tpu.memref_slice %arg2[%dma_start3A_39, %dma_start3A_40] : memref<10000x128xf32, #tpu.memory_space<hbm>> -> memref<10000x128xf32, #tpu.memory_space<hbm>>
    tpu.enqueue_indirect_dma source(%dma_start3A_41 : memref<10000x128xf32, #tpu.memory_space<hbm>>) target(%arg10 : memref<128x128xf32, #tpu.memory_space<vmem>>) offsets(%arg6 : memref<128xi32, #tpu.memory_space<vmem>>) semaphore(%arg16 : memref<!tpu.dma_semaphore, #tpu.memory_space<semaphore_mem>>)
    %barrier3A = arith.constant 0 : index
    tpu.barrier barrier_id(%barrier3A)
    %scan3A_42 = arith.constant 0 : i32
    %scan3A_43 = arith.constant 0 : i32
    %scan3A_44 = arith.constant 38 : i32
    %scan3A_45 = arith.addi %scan3A_43, %scan3A_44 : i32
    %scan3A_46 = arith.constant 1 : i32
    scf.for %scan3A_77 = %scan3A_43 to %scan3A_45 step %scan3A_46  : i32 {
      %mul3A_78 = arith.constant 2 : i32
      %mul3A_79 = arith.muli %mul3A_78, %scan3A_77 : i32
      %add3A_80 = arith.constant 0 : i32
      %add3A_81 = arith.addi %mul3A_79, %add3A_80 : i32
      %add3A_82 = arith.constant 1 : i32
      %add3A_83 = arith.addi %add3A_81, %add3A_82 : i32
      %mul3A_84 = arith.constant 128 : i32
      %mul3A_85 = arith.muli %add3A_83, %mul3A_84 : i32
      %add3A_86 = arith.addi %mul3A_2, %mul3A_85 : i32
      %dma_wait3A_87 = tpu.memref_slice %arg3[%add3A_86] : memref<320000xi32, #tpu.memory_space<hbm>> -> memref<128xi32, #tpu.memory_space<hbm>>
      %dma_wait3A_88 = tpu.memref_slice %arg3[%add3A_86] : memref<320000xi32, #tpu.memory_space<hbm>> -> memref<128xi32, #tpu.memory_space<hbm>>
      tpu.wait_dma2 semaphore(%arg19 : memref<!tpu.dma_semaphore, #tpu.memory_space<semaphore_mem>>) src(%dma_wait3A_88 : memref<128xi32, #tpu.memory_space<hbm>>) dst(%arg7 : memref<128xi32, #tpu.memory_space<vmem>>)
      %dma_wait3A_89 = tpu.memref_slice %arg4[%add3A_86] : memref<320000xi32, #tpu.memory_space<hbm>> -> memref<128xi32, #tpu.memory_space<hbm>>
      %dma_wait3A_90 = tpu.memref_slice %arg4[%add3A_86] : memref<320000xi32, #tpu.memory_space<hbm>> -> memref<128xi32, #tpu.memory_space<hbm>>
      tpu.wait_dma2 semaphore(%arg19 : memref<!tpu.dma_semaphore, #tpu.memory_space<semaphore_mem>>) src(%dma_wait3A_90 : memref<128xi32, #tpu.memory_space<hbm>>) dst(%arg9 : memref<128xi32, #tpu.memory_space<vmem>>)
      %dma_start3A_91 = arith.constant 0 : i32
      %dma_start3A_92 = arith.constant 0 : i32
      %dma_start3A_93 = tpu.memref_slice %arg2[%dma_start3A_91, %dma_start3A_92] : memref<10000x128xf32, #tpu.memory_space<hbm>> -> memref<10000x128xf32, #tpu.memory_space<hbm>>
      tpu.enqueue_indirect_dma source(%dma_start3A_93 : memref<10000x128xf32, #tpu.memory_space<hbm>>) target(%arg11 : memref<128x128xf32, #tpu.memory_space<vmem>>) offsets(%arg7 : memref<128xi32, #tpu.memory_space<vmem>>) semaphore(%arg17 : memref<!tpu.dma_semaphore, #tpu.memory_space<semaphore_mem>>)
      %dma_wait3A_94 = arith.constant 0 : i32
      %dma_wait3A_95 = arith.constant 0 : i32
      %dma_wait3A_96 = tpu.memref_slice %arg2[%dma_wait3A_94, %dma_wait3A_95] : memref<10000x128xf32, #tpu.memory_space<hbm>> -> memref<10000x128xf32, #tpu.memory_space<hbm>>
      tpu.wait_indirect_dma semaphore(%arg16 : memref<!tpu.dma_semaphore, #tpu.memory_space<semaphore_mem>>) src(%dma_wait3A_96 : memref<10000x128xf32, #tpu.memory_space<hbm>>) dst(%arg10 : memref<128x128xf32, #tpu.memory_space<vmem>>)
      "tpu.region"() ({
        %run_scoped3A = tpu.sem_alloc : memref<!tpu.dma_semaphore, #tpu.memory_space<semaphore_mem>>
        %dma_start3A_134 = arith.constant 0 : i32
        %dma_start3A_135 = arith.constant 0 : i32
        %dma_start3A_136 = tpu.memref_slice %arg15[%dma_start3A_134, %dma_start3A_135] : memref<10000x128xf32, #tpu.memory_space<vmem_shared>> -> memref<10000x128xf32, #tpu.memory_space<vmem_shared>>
        tpu.enqueue_indirect_dma source(%arg10 : memref<128x128xf32, #tpu.memory_space<vmem>>) target(%dma_start3A_136 : memref<10000x128xf32, #tpu.memory_space<vmem_shared>>) offsets(%arg8 : memref<128xi32, #tpu.memory_space<vmem>>) semaphore(%run_scoped3A : memref<!tpu.dma_semaphore, #tpu.memory_space<semaphore_mem>>) {add = true}
        %dma_wait3A_137 = arith.constant 0 : i32
        %dma_wait3A_138 = arith.constant 0 : i32
        %dma_wait3A_139 = tpu.memref_slice %arg15[%dma_wait3A_137, %dma_wait3A_138] : memref<10000x128xf32, #tpu.memory_space<vmem_shared>> -> memref<10000x128xf32, #tpu.memory_space<vmem_shared>>
        tpu.wait_indirect_dma semaphore(%run_scoped3A : memref<!tpu.dma_semaphore, #tpu.memory_space<semaphore_mem>>) src(%arg10 : memref<128x128xf32, #tpu.memory_space<vmem>>) dst(%dma_wait3A_139 : memref<10000x128xf32, #tpu.memory_space<vmem_shared>>)
        tpu.yield
      }) : () -> ()
      %add3A_97 = arith.constant 2 : i32
      %add3A_98 = arith.addi %add3A_81, %add3A_97 : i32
      %mul3A_99 = arith.constant 128 : i32
      %mul3A_100 = arith.muli %add3A_98, %mul3A_99 : i32
      %add3A_101 = arith.addi %mul3A_2, %mul3A_100 : i32
      %dma_start3A_102 = tpu.memref_slice %arg3[%add3A_101] : memref<320000xi32, #tpu.memory_space<hbm>> -> memref<128xi32, #tpu.memory_space<hbm>>
      %dma_start3A_103 = tpu.memref_slice %arg3[%add3A_101] : memref<320000xi32, #tpu.memory_space<hbm>> -> memref<128xi32, #tpu.memory_space<hbm>>
      tpu.enqueue_dma source(%dma_start3A_103 : memref<128xi32, #tpu.memory_space<hbm>>) target(%arg6 : memref<128xi32, #tpu.memory_space<vmem>>) target_semaphore(%arg18 : memref<!tpu.dma_semaphore, #tpu.memory_space<semaphore_mem>>)
      %dma_start3A_104 = tpu.memref_slice %arg4[%add3A_101] : memref<320000xi32, #tpu.memory_space<hbm>> -> memref<128xi32, #tpu.memory_space<hbm>>
      %dma_start3A_105 = tpu.memref_slice %arg4[%add3A_101] : memref<320000xi32, #tpu.memory_space<hbm>> -> memref<128xi32, #tpu.memory_space<hbm>>
      tpu.enqueue_dma source(%dma_start3A_105 : memref<128xi32, #tpu.memory_space<hbm>>) target(%arg8 : memref<128xi32, #tpu.memory_space<vmem>>) target_semaphore(%arg18 : memref<!tpu.dma_semaphore, #tpu.memory_space<semaphore_mem>>)
      %mul3A_106 = arith.constant 2 : i32
      %mul3A_107 = arith.muli %mul3A_106, %scan3A_77 : i32
      %add3A_108 = arith.constant 1 : i32
      %add3A_109 = arith.addi %mul3A_107, %add3A_108 : i32
      %add3A_110 = arith.constant 1 : i32
      %add3A_111 = arith.addi %add3A_109, %add3A_110 : i32
      %mul3A_112 = arith.constant 128 : i32
      %mul3A_113 = arith.muli %add3A_111, %mul3A_112 : i32
      %add3A_114 = arith.addi %mul3A_2, %mul3A_113 : i32
      %dma_wait3A_115 = tpu.memref_slice %arg3[%add3A_114] : memref<320000xi32, #tpu.memory_space<hbm>> -> memref<128xi32, #tpu.memory_space<hbm>>
      %dma_wait3A_116 = tpu.memref_slice %arg3[%add3A_114] : memref<320000xi32, #tpu.memory_space<hbm>> -> memref<128xi32, #tpu.memory_space<hbm>>
      tpu.wait_dma2 semaphore(%arg18 : memref<!tpu.dma_semaphore, #tpu.memory_space<semaphore_mem>>) src(%dma_wait3A_116 : memref<128xi32, #tpu.memory_space<hbm>>) dst(%arg6 : memref<128xi32, #tpu.memory_space<vmem>>)
      %dma_wait3A_117 = tpu.memref_slice %arg4[%add3A_114] : memref<320000xi32, #tpu.memory_space<hbm>> -> memref<128xi32, #tpu.memory_space<hbm>>
      %dma_wait3A_118 = tpu.memref_slice %arg4[%add3A_114] : memref<320000xi32, #tpu.memory_space<hbm>> -> memref<128xi32, #tpu.memory_space<hbm>>
      tpu.wait_dma2 semaphore(%arg18 : memref<!tpu.dma_semaphore, #tpu.memory_space<semaphore_mem>>) src(%dma_wait3A_118 : memref<128xi32, #tpu.memory_space<hbm>>) dst(%arg8 : memref<128xi32, #tpu.memory_space<vmem>>)
      %dma_start3A_119 = arith.constant 0 : i32
      %dma_start3A_120 = arith.constant 0 : i32
      %dma_start3A_121 = tpu.memref_slice %arg2[%dma_start3A_119, %dma_start3A_120] : memref<10000x128xf32, #tpu.memory_space<hbm>> -> memref<10000x128xf32, #tpu.memory_space<hbm>>
      tpu.enqueue_indirect_dma source(%dma_start3A_121 : memref<10000x128xf32, #tpu.memory_space<hbm>>) target(%arg10 : memref<128x128xf32, #tpu.memory_space<vmem>>) offsets(%arg6 : memref<128xi32, #tpu.memory_space<vmem>>) semaphore(%arg16 : memref<!tpu.dma_semaphore, #tpu.memory_space<semaphore_mem>>)
      %dma_wait3A_122 = arith.constant 0 : i32
      %dma_wait3A_123 = arith.constant 0 : i32
      %dma_wait3A_124 = tpu.memref_slice %arg2[%dma_wait3A_122, %dma_wait3A_123] : memref<10000x128xf32, #tpu.memory_space<hbm>> -> memref<10000x128xf32, #tpu.memory_space<hbm>>
      tpu.wait_indirect_dma semaphore(%arg17 : memref<!tpu.dma_semaphore, #tpu.memory_space<semaphore_mem>>) src(%dma_wait3A_124 : memref<10000x128xf32, #tpu.memory_space<hbm>>) dst(%arg11 : memref<128x128xf32, #tpu.memory_space<vmem>>)
      "tpu.region"() ({
        %run_scoped3A = tpu.sem_alloc : memref<!tpu.dma_semaphore, #tpu.memory_space<semaphore_mem>>
        %dma_start3A_134 = arith.constant 0 : i32
        %dma_start3A_135 = arith.constant 0 : i32
        %dma_start3A_136 = tpu.memref_slice %arg15[%dma_start3A_134, %dma_start3A_135] : memref<10000x128xf32, #tpu.memory_space<vmem_shared>> -> memref<10000x128xf32, #tpu.memory_space<vmem_shared>>
        tpu.enqueue_indirect_dma source(%arg11 : memref<128x128xf32, #tpu.memory_space<vmem>>) target(%dma_start3A_136 : memref<10000x128xf32, #tpu.memory_space<vmem_shared>>) offsets(%arg9 : memref<128xi32, #tpu.memory_space<vmem>>) semaphore(%run_scoped3A : memref<!tpu.dma_semaphore, #tpu.memory_space<semaphore_mem>>) {add = true}
        %dma_wait3A_137 = arith.constant 0 : i32
        %dma_wait3A_138 = arith.constant 0 : i32
        %dma_wait3A_139 = tpu.memref_slice %arg15[%dma_wait3A_137, %dma_wait3A_138] : memref<10000x128xf32, #tpu.memory_space<vmem_shared>> -> memref<10000x128xf32, #tpu.memory_space<vmem_shared>>
        tpu.wait_indirect_dma semaphore(%run_scoped3A : memref<!tpu.dma_semaphore, #tpu.memory_space<semaphore_mem>>) src(%arg11 : memref<128x128xf32, #tpu.memory_space<vmem>>) dst(%dma_wait3A_139 : memref<10000x128xf32, #tpu.memory_space<vmem_shared>>)
        tpu.yield
      }) : () -> ()
      %add3A_125 = arith.constant 2 : i32
      %add3A_126 = arith.addi %add3A_109, %add3A_125 : i32
      %mul3A_127 = arith.constant 128 : i32
      %mul3A_128 = arith.muli %add3A_126, %mul3A_127 : i32
      %add3A_129 = arith.addi %mul3A_2, %mul3A_128 : i32
      %dma_start3A_130 = tpu.memref_slice %arg3[%add3A_129] : memref<320000xi32, #tpu.memory_space<hbm>> -> memref<128xi32, #tpu.memory_space<hbm>>
      %dma_start3A_131 = tpu.memref_slice %arg3[%add3A_129] : memref<320000xi32, #tpu.memory_space<hbm>> -> memref<128xi32, #tpu.memory_space<hbm>>
      tpu.enqueue_dma source(%dma_start3A_131 : memref<128xi32, #tpu.memory_space<hbm>>) target(%arg7 : memref<128xi32, #tpu.memory_space<vmem>>) target_semaphore(%arg19 : memref<!tpu.dma_semaphore, #tpu.memory_space<semaphore_mem>>)
      %dma_start3A_132 = tpu.memref_slice %arg4[%add3A_129] : memref<320000xi32, #tpu.memory_space<hbm>> -> memref<128xi32, #tpu.memory_space<hbm>>
      %dma_start3A_133 = tpu.memref_slice %arg4[%add3A_129] : memref<320000xi32, #tpu.memory_space<hbm>> -> memref<128xi32, #tpu.memory_space<hbm>>
      tpu.enqueue_dma source(%dma_start3A_133 : memref<128xi32, #tpu.memory_space<hbm>>) target(%arg9 : memref<128xi32, #tpu.memory_space<vmem>>) target_semaphore(%arg19 : memref<!tpu.dma_semaphore, #tpu.memory_space<semaphore_mem>>)
    }
    %scan3A_47 = arith.constant 38 : i32
    %add3A_48 = arith.constant 9856 : i32
    %add3A_49 = arith.addi %mul3A_2, %add3A_48 : i32
    %dma_wait3A_50 = tpu.memref_slice %arg3[%add3A_49] : memref<320000xi32, #tpu.memory_space<hbm>> -> memref<128xi32, #tpu.memory_space<hbm>>
    %dma_wait3A_51 = tpu.memref_slice %arg3[%add3A_49] : memref<320000xi32, #tpu.memory_space<hbm>> -> memref<128xi32, #tpu.memory_space<hbm>>
    tpu.wait_dma2 semaphore(%arg19 : memref<!tpu.dma_semaphore, #tpu.memory_space<semaphore_mem>>) src(%dma_wait3A_51 : memref<128xi32, #tpu.memory_space<hbm>>) dst(%arg7 : memref<128xi32, #tpu.memory_space<vmem>>)
    %dma_wait3A_52 = tpu.memref_slice %arg4[%add3A_49] : memref<320000xi32, #tpu.memory_space<hbm>> -> memref<128xi32, #tpu.memory_space<hbm>>
    %dma_wait3A_53 = tpu.memref_slice %arg4[%add3A_49] : memref<320000xi32, #tpu.memory_space<hbm>> -> memref<128xi32, #tpu.memory_space<hbm>>
    tpu.wait_dma2 semaphore(%arg19 : memref<!tpu.dma_semaphore, #tpu.memory_space<semaphore_mem>>) src(%dma_wait3A_53 : memref<128xi32, #tpu.memory_space<hbm>>) dst(%arg9 : memref<128xi32, #tpu.memory_space<vmem>>)
    %dma_start3A_54 = arith.constant 0 : i32
    %dma_start3A_55 = arith.constant 0 : i32
    %dma_start3A_56 = tpu.memref_slice %arg2[%dma_start3A_54, %dma_start3A_55] : memref<10000x128xf32, #tpu.memory_space<hbm>> -> memref<10000x128xf32, #tpu.memory_space<hbm>>
    tpu.enqueue_indirect_dma source(%dma_start3A_56 : memref<10000x128xf32, #tpu.memory_space<hbm>>) target(%arg11 : memref<128x128xf32, #tpu.memory_space<vmem>>) offsets(%arg7 : memref<128xi32, #tpu.memory_space<vmem>>) semaphore(%arg17 : memref<!tpu.dma_semaphore, #tpu.memory_space<semaphore_mem>>)
    %dma_wait3A_57 = arith.constant 0 : i32
    %dma_wait3A_58 = arith.constant 0 : i32
    %dma_wait3A_59 = tpu.memref_slice %arg2[%dma_wait3A_57, %dma_wait3A_58] : memref<10000x128xf32, #tpu.memory_space<hbm>> -> memref<10000x128xf32, #tpu.memory_space<hbm>>
    tpu.wait_indirect_dma semaphore(%arg16 : memref<!tpu.dma_semaphore, #tpu.memory_space<semaphore_mem>>) src(%dma_wait3A_59 : memref<10000x128xf32, #tpu.memory_space<hbm>>) dst(%arg10 : memref<128x128xf32, #tpu.memory_space<vmem>>)
    "tpu.region"() ({
      %run_scoped3A = tpu.sem_alloc : memref<!tpu.dma_semaphore, #tpu.memory_space<semaphore_mem>>
      %dma_start3A_77 = arith.constant 0 : i32
      %dma_start3A_78 = arith.constant 0 : i32
      %dma_start3A_79 = tpu.memref_slice %arg15[%dma_start3A_77, %dma_start3A_78] : memref<10000x128xf32, #tpu.memory_space<vmem_shared>> -> memref<10000x128xf32, #tpu.memory_space<vmem_shared>>
      tpu.enqueue_indirect_dma source(%arg10 : memref<128x128xf32, #tpu.memory_space<vmem>>) target(%dma_start3A_79 : memref<10000x128xf32, #tpu.memory_space<vmem_shared>>) offsets(%arg8 : memref<128xi32, #tpu.memory_space<vmem>>) semaphore(%run_scoped3A : memref<!tpu.dma_semaphore, #tpu.memory_space<semaphore_mem>>) {add = true}
      %dma_wait3A_80 = arith.constant 0 : i32
      %dma_wait3A_81 = arith.constant 0 : i32
      %dma_wait3A_82 = tpu.memref_slice %arg15[%dma_wait3A_80, %dma_wait3A_81] : memref<10000x128xf32, #tpu.memory_space<vmem_shared>> -> memref<10000x128xf32, #tpu.memory_space<vmem_shared>>
      tpu.wait_indirect_dma semaphore(%run_scoped3A : memref<!tpu.dma_semaphore, #tpu.memory_space<semaphore_mem>>) src(%arg10 : memref<128x128xf32, #tpu.memory_space<vmem>>) dst(%dma_wait3A_82 : memref<10000x128xf32, #tpu.memory_space<vmem_shared>>)
      tpu.yield
    }) : () -> ()
    %dma_wait3A_60 = arith.constant 0 : i32
    %dma_wait3A_61 = arith.constant 0 : i32
    %dma_wait3A_62 = tpu.memref_slice %arg2[%dma_wait3A_60, %dma_wait3A_61] : memref<10000x128xf32, #tpu.memory_space<hbm>> -> memref<10000x128xf32, #tpu.memory_space<hbm>>
    tpu.wait_indirect_dma semaphore(%arg17 : memref<!tpu.dma_semaphore, #tpu.memory_space<semaphore_mem>>) src(%dma_wait3A_62 : memref<10000x128xf32, #tpu.memory_space<hbm>>) dst(%arg11 : memref<128x128xf32, #tpu.memory_space<vmem>>)
    "tpu.region"() ({
      %run_scoped3A = tpu.sem_alloc : memref<!tpu.dma_semaphore, #tpu.memory_space<semaphore_mem>>
      %dma_start3A_77 = arith.constant 0 : i32
      %dma_start3A_78 = arith.constant 0 : i32
      %dma_start3A_79 = tpu.memref_slice %arg15[%dma_start3A_77, %dma_start3A_78] : memref<10000x128xf32, #tpu.memory_space<vmem_shared>> -> memref<10000x128xf32, #tpu.memory_space<vmem_shared>>
      tpu.enqueue_indirect_dma source(%arg11 : memref<128x128xf32, #tpu.memory_space<vmem>>) target(%dma_start3A_79 : memref<10000x128xf32, #tpu.memory_space<vmem_shared>>) offsets(%arg9 : memref<128xi32, #tpu.memory_space<vmem>>) semaphore(%run_scoped3A : memref<!tpu.dma_semaphore, #tpu.memory_space<semaphore_mem>>) {add = true}
      %dma_wait3A_80 = arith.constant 0 : i32
      %dma_wait3A_81 = arith.constant 0 : i32
      %dma_wait3A_82 = tpu.memref_slice %arg15[%dma_wait3A_80, %dma_wait3A_81] : memref<10000x128xf32, #tpu.memory_space<vmem_shared>> -> memref<10000x128xf32, #tpu.memory_space<vmem_shared>>
      tpu.wait_indirect_dma semaphore(%run_scoped3A : memref<!tpu.dma_semaphore, #tpu.memory_space<semaphore_mem>>) src(%arg11 : memref<128x128xf32, #tpu.memory_space<vmem>>) dst(%dma_wait3A_82 : memref<10000x128xf32, #tpu.memory_space<vmem_shared>>)
      tpu.yield
    }) : () -> ()
    %add3A_63 = arith.constant 9984 : i32
    %add3A_64 = arith.addi %mul3A_2, %add3A_63 : i32
    "tpu.region"() ({
      %run_scoped3A = tpu.sem_alloc : memref<!tpu.dma_semaphore, #tpu.memory_space<semaphore_mem>>
      %dma_start3A_77 = tpu.memref_slice %arg3[%add3A_64] : memref<320000xi32, #tpu.memory_space<hbm>> -> memref<16xi32, #tpu.memory_space<hbm>>
      %dma_start3A_78 = tpu.memref_slice %arg3[%add3A_64] : memref<320000xi32, #tpu.memory_space<hbm>> -> memref<16xi32, #tpu.memory_space<hbm>>
      tpu.enqueue_dma source(%dma_start3A_78 : memref<16xi32, #tpu.memory_space<hbm>>) target(%arg12 : memref<16xi32, #tpu.memory_space<vmem>>) target_semaphore(%run_scoped3A : memref<!tpu.dma_semaphore, #tpu.memory_space<semaphore_mem>>)
      %dma_wait3A_79 = tpu.memref_slice %arg3[%add3A_64] : memref<320000xi32, #tpu.memory_space<hbm>> -> memref<16xi32, #tpu.memory_space<hbm>>
      %dma_wait3A_80 = tpu.memref_slice %arg3[%add3A_64] : memref<320000xi32, #tpu.memory_space<hbm>> -> memref<16xi32, #tpu.memory_space<hbm>>
      tpu.wait_dma2 semaphore(%run_scoped3A : memref<!tpu.dma_semaphore, #tpu.memory_space<semaphore_mem>>) src(%dma_wait3A_80 : memref<16xi32, #tpu.memory_space<hbm>>) dst(%arg12 : memref<16xi32, #tpu.memory_space<vmem>>)
      tpu.yield
    }) : () -> ()
    "tpu.region"() ({
      %run_scoped3A = tpu.sem_alloc : memref<!tpu.dma_semaphore, #tpu.memory_space<semaphore_mem>>
      %dma_start3A_77 = tpu.memref_slice %arg4[%add3A_64] : memref<320000xi32, #tpu.memory_space<hbm>> -> memref<16xi32, #tpu.memory_space<hbm>>
      %dma_start3A_78 = tpu.memref_slice %arg4[%add3A_64] : memref<320000xi32, #tpu.memory_space<hbm>> -> memref<16xi32, #tpu.memory_space<hbm>>
      tpu.enqueue_dma source(%dma_start3A_78 : memref<16xi32, #tpu.memory_space<hbm>>) target(%arg13 : memref<16xi32, #tpu.memory_space<vmem>>) target_semaphore(%run_scoped3A : memref<!tpu.dma_semaphore, #tpu.memory_space<semaphore_mem>>)
      %dma_wait3A_79 = tpu.memref_slice %arg4[%add3A_64] : memref<320000xi32, #tpu.memory_space<hbm>> -> memref<16xi32, #tpu.memory_space<hbm>>
      %dma_wait3A_80 = tpu.memref_slice %arg4[%add3A_64] : memref<320000xi32, #tpu.memory_space<hbm>> -> memref<16xi32, #tpu.memory_space<hbm>>
      tpu.wait_dma2 semaphore(%run_scoped3A : memref<!tpu.dma_semaphore, #tpu.memory_space<semaphore_mem>>) src(%dma_wait3A_80 : memref<16xi32, #tpu.memory_space<hbm>>) dst(%arg13 : memref<16xi32, #tpu.memory_space<vmem>>)
      tpu.yield
    }) : () -> ()
    %dma_start3A_65 = arith.constant 0 : i32
    %dma_start3A_66 = arith.constant 0 : i32
    %dma_start3A_67 = tpu.memref_slice %arg2[%dma_start3A_65, %dma_start3A_66] : memref<10000x128xf32, #tpu.memory_space<hbm>> -> memref<10000x128xf32, #tpu.memory_space<hbm>>
    tpu.enqueue_indirect_dma source(%dma_start3A_67 : memref<10000x128xf32, #tpu.memory_space<hbm>>) target(%arg14 : memref<16x128xf32, #tpu.memory_space<vmem>>) offsets(%arg12 : memref<16xi32, #tpu.memory_space<vmem>>) semaphore(%arg20 : memref<!tpu.dma_semaphore, #tpu.memory_space<semaphore_mem>>)
    %dma_wait3A_68 = arith.constant 0 : i32
    %dma_wait3A_69 = arith.constant 0 : i32
    %dma_wait3A_70 = tpu.memref_slice %arg2[%dma_wait3A_68, %dma_wait3A_69] : memref<10000x128xf32, #tpu.memory_space<hbm>> -> memref<10000x128xf32, #tpu.memory_space<hbm>>
    tpu.wait_indirect_dma semaphore(%arg20 : memref<!tpu.dma_semaphore, #tpu.memory_space<semaphore_mem>>) src(%dma_wait3A_70 : memref<10000x128xf32, #tpu.memory_space<hbm>>) dst(%arg14 : memref<16x128xf32, #tpu.memory_space<vmem>>)
    "tpu.region"() ({
      %run_scoped3A = tpu.sem_alloc : memref<!tpu.dma_semaphore, #tpu.memory_space<semaphore_mem>>
      %dma_start3A_77 = arith.constant 0 : i32
      %dma_start3A_78 = arith.constant 0 : i32
      %dma_start3A_79 = tpu.memref_slice %arg15[%dma_start3A_77, %dma_start3A_78] : memref<10000x128xf32, #tpu.memory_space<vmem_shared>> -> memref<10000x128xf32, #tpu.memory_space<vmem_shared>>
      tpu.enqueue_indirect_dma source(%arg14 : memref<16x128xf32, #tpu.memory_space<vmem>>) target(%dma_start3A_79 : memref<10000x128xf32, #tpu.memory_space<vmem_shared>>) offsets(%arg13 : memref<16xi32, #tpu.memory_space<vmem>>) semaphore(%run_scoped3A : memref<!tpu.dma_semaphore, #tpu.memory_space<semaphore_mem>>) {add = true}
      %dma_wait3A_80 = arith.constant 0 : i32
      %dma_wait3A_81 = arith.constant 0 : i32
      %dma_wait3A_82 = tpu.memref_slice %arg15[%dma_wait3A_80, %dma_wait3A_81] : memref<10000x128xf32, #tpu.memory_space<vmem_shared>> -> memref<10000x128xf32, #tpu.memory_space<vmem_shared>>
      tpu.wait_indirect_dma semaphore(%run_scoped3A : memref<!tpu.dma_semaphore, #tpu.memory_space<semaphore_mem>>) src(%arg14 : memref<16x128xf32, #tpu.memory_space<vmem>>) dst(%dma_wait3A_82 : memref<10000x128xf32, #tpu.memory_space<vmem_shared>>)
      tpu.yield
    }) : () -> ()
    %barrier3A_71 = arith.constant 0 : index
    tpu.barrier barrier_id(%barrier3A_71)
    "tpu.region"() ({
      %run_scoped3A = tpu.sem_alloc : memref<!tpu.dma_semaphore, #tpu.memory_space<semaphore_mem>>
      %dma_start3A_77 = arith.constant 0 : i32
      %dma_start3A_78 = tpu.memref_slice %arg5[%arg0, %mul3A_21, %dma_start3A_77] : memref<2x10000x128xf32, #tpu.memory_space<hbm>> -> memref<1x624x128xf32, #tpu.memory_space<hbm>>
      %dma_start3A_79 = tpu.memref_squeeze %dma_start3A_78 : memref<1x624x128xf32, #tpu.memory_space<hbm>> -> memref<624x128xf32, #tpu.memory_space<hbm>>
      %dma_start3A_80 = arith.constant 0 : i32
      %dma_start3A_81 = tpu.memref_slice %arg15[%mul3A_21, %dma_start3A_80] : memref<10000x128xf32, #tpu.memory_space<vmem_shared>> -> memref<624x128xf32, #tpu.memory_space<vmem_shared>>
      tpu.enqueue_dma source(%dma_start3A_81 : memref<624x128xf32, #tpu.memory_space<vmem_shared>>) target(%dma_start3A_79 : memref<624x128xf32, #tpu.memory_space<hbm>>) target_semaphore(%run_scoped3A : memref<!tpu.dma_semaphore, #tpu.memory_space<semaphore_mem>>)
      %dma_wait3A_82 = arith.constant 0 : i32
      %dma_wait3A_83 = tpu.memref_slice %arg5[%arg0, %mul3A_21, %dma_wait3A_82] : memref<2x10000x128xf32, #tpu.memory_space<hbm>> -> memref<1x624x128xf32, #tpu.memory_space<hbm>>
      %dma_wait3A_84 = tpu.memref_squeeze %dma_wait3A_83 : memref<1x624x128xf32, #tpu.memory_space<hbm>> -> memref<624x128xf32, #tpu.memory_space<hbm>>
      %dma_wait3A_85 = arith.constant 0 : i32
      %dma_wait3A_86 = tpu.memref_slice %arg15[%mul3A_21, %dma_wait3A_85] : memref<10000x128xf32, #tpu.memory_space<vmem_shared>> -> memref<624x128xf32, #tpu.memory_space<vmem_shared>>
      tpu.wait_dma2 semaphore(%run_scoped3A : memref<!tpu.dma_semaphore, #tpu.memory_space<semaphore_mem>>) src(%dma_wait3A_86 : memref<624x128xf32, #tpu.memory_space<vmem_shared>>) dst(%dma_wait3A_84 : memref<624x128xf32, #tpu.memory_space<hbm>>)
      tpu.yield
    }) : () -> ()
    %eq3A_72 = arith.constant 15 : i32
    %eq3A_73 = arith.cmpi eq, %arg1, %eq3A_72 : i32
    %convert_element_type3A_74 = arith.extui %eq3A_73 : i1 to i32
    %cond3A_75 = arith.constant 0 : i32
    %cond3A_76 = arith.cmpi ne, %convert_element_type3A_74, %cond3A_75 : i32
    scf.if %cond3A_76 {
      "tpu.region"() ({
        %run_scoped3A = tpu.sem_alloc : memref<!tpu.dma_semaphore, #tpu.memory_space<semaphore_mem>>
        %dma_start3A_77 = arith.constant 9984 : i32
        %dma_start3A_78 = arith.constant 0 : i32
        %dma_start3A_79 = tpu.memref_slice %arg5[%arg0, %dma_start3A_77, %dma_start3A_78] : memref<2x10000x128xf32, #tpu.memory_space<hbm>> -> memref<1x16x128xf32, #tpu.memory_space<hbm>>
        %dma_start3A_80 = tpu.memref_squeeze %dma_start3A_79 : memref<1x16x128xf32, #tpu.memory_space<hbm>> -> memref<16x128xf32, #tpu.memory_space<hbm>>
        %dma_start3A_81 = arith.constant 9984 : i32
        %dma_start3A_82 = arith.constant 0 : i32
        %dma_start3A_83 = tpu.memref_slice %arg15[%dma_start3A_81, %dma_start3A_82] : memref<10000x128xf32, #tpu.memory_space<vmem_shared>> -> memref<16x128xf32, #tpu.memory_space<vmem_shared>>
        tpu.enqueue_dma source(%dma_start3A_83 : memref<16x128xf32, #tpu.memory_space<vmem_shared>>) target(%dma_start3A_80 : memref<16x128xf32, #tpu.memory_space<hbm>>) target_semaphore(%run_scoped3A : memref<!tpu.dma_semaphore, #tpu.memory_space<semaphore_mem>>)
        %dma_wait3A_84 = arith.constant 9984 : i32
        %dma_wait3A_85 = arith.constant 0 : i32
        %dma_wait3A_86 = tpu.memref_slice %arg5[%arg0, %dma_wait3A_84, %dma_wait3A_85] : memref<2x10000x128xf32, #tpu.memory_space<hbm>> -> memref<1x16x128xf32, #tpu.memory_space<hbm>>
        %dma_wait3A_87 = tpu.memref_squeeze %dma_wait3A_86 : memref<1x16x128xf32, #tpu.memory_space<hbm>> -> memref<16x128xf32, #tpu.memory_space<hbm>>
        %dma_wait3A_88 = arith.constant 9984 : i32
        %dma_wait3A_89 = arith.constant 0 : i32
        %dma_wait3A_90 = tpu.memref_slice %arg15[%dma_wait3A_88, %dma_wait3A_89] : memref<10000x128xf32, #tpu.memory_space<vmem_shared>> -> memref<16x128xf32, #tpu.memory_space<vmem_shared>>
        tpu.wait_dma2 semaphore(%run_scoped3A : memref<!tpu.dma_semaphore, #tpu.memory_space<semaphore_mem>>) src(%dma_wait3A_90 : memref<16x128xf32, #tpu.memory_space<vmem_shared>>) dst(%dma_wait3A_87 : memref<16x128xf32, #tpu.memory_space<hbm>>)
        tpu.yield
      }) : () -> ()
    } else {
    }
    return
  }
}

module attributes {stable_mosaic.version = 14 : i64} {
  func.func @_combine_body(%arg0: i32, %arg1: memref<2x1000x128xf32, #tpu.memory_space<vmem>>, %arg2: memref<1000x128xf32, #tpu.memory_space<vmem>>) attributes {dimension_semantics = [#tpu.dimension_semantics<arbitrary>], iteration_bounds = array<i64: 10>, scalar_prefetch = 0 : i64, scratch_operands = 0 : i64, tpu.core_type = #tpu.core_type<tc>, window_params = [{transform_indices = @transform_0, window_bounds = array<i64: 2, 1000, 128>}, {transform_indices = @transform_1, window_bounds = array<i64: 1000, 128>}]} {
    %get3A = arith.constant 0 : index
    %get3A_0 = arith.constant 0 : index
    %get3A_1 = arith.constant 0 : index
    %get3A_2 = vector.load %arg1[%get3A, %get3A_0, %get3A_1] : memref<2x1000x128xf32, #tpu.memory_space<vmem>>, vector<1x1000x128xf32>
    %get3A_3 = vector.shape_cast %get3A_2 : vector<1x1000x128xf32> to vector<1000x128xf32>
    %get3A_4 = arith.constant 1 : index
    %get3A_5 = arith.constant 0 : index
    %get3A_6 = arith.constant 0 : index
    %get3A_7 = vector.load %arg1[%get3A_4, %get3A_5, %get3A_6] : memref<2x1000x128xf32, #tpu.memory_space<vmem>>, vector<1x1000x128xf32>
    %get3A_8 = vector.shape_cast %get3A_7 : vector<1x1000x128xf32> to vector<1000x128xf32>
    %add3A = arith.addf %get3A_3, %get3A_8 : vector<1000x128xf32>
    %swap3A = arith.constant 0 : index
    %swap3A_9 = arith.constant 0 : index
    %swap3A_10 = vector.load %arg2[%swap3A, %swap3A_9] : memref<1000x128xf32, #tpu.memory_space<vmem>>, vector<1000x128xf32>
    tpu.vector_store %arg2[%swap3A, %swap3A_9], %add3A {strides = array<i32>} : memref<1000x128xf32, #tpu.memory_space<vmem>>, vector<1000x128xf32>,
    return
  }
  func.func @transform_0(%arg0: i32) -> (i32, i32, i32) {
    %c0_i32 = arith.constant 0 : i32
    %c0_i32_0 = arith.constant 0 : i32
    %c0_i32_1 = arith.constant 0 : i32
    return %c0_i32, %arg0, %c0_i32_0 : i32, i32, i32
  }
  func.func @transform_1(%arg0: i32) -> (i32, i32) {
    %c0_i32 = arith.constant 0 : i32
    %c0_i32_0 = arith.constant 0 : i32
    return %arg0, %c0_i32 : i32, i32
  }
}

</mosaic_0001>

<sc_bundles>
// kernel: kernel.4.cloned.1.call-start
scs
__scs_entry_jumppad:
0x0: {  	(pc) =	sbr.rel $0x88, $3  }
0x1: {  	(tag) =	ssettag $0x0;
	lr =	simm.s32 $0x1  }
0x2: {  	[smem:$0x3F9F] =	sst lr;
	_ =	strace $0xD0000000  }
0x3: {  	_ = 	snop  }
0x4: {  	_ = 	snop  }
0x5: {  	_ = 	snop  }
0x6: {  	_ = 	snop  }
0x7: {  	_ = 	snop  }
__scs_overlays_trampoline_lowered:
0x8: {  	[smem:$0x3FAE] =	sst s0  }
0x9: {  	[smem:$0x3FAF] =	sst s1  }
0xa: {  	[smem:$0x3FB0] =	sst s2  }
0xb: {  	[smem:$0x3FB1] =	sst s3  }
0xc: {  	[smem:$0x3FB2] =	sst s4  }
0xd: {  	[smem:$0x3FB3] =	sst s5  }
0xe: {  	[smem:$0x3FB4] =	sst s6  }
0xf: {  	[smem:$0x3FB5] =	sst s7  }
0x10: {  	[smem:$0x3FB6] =	sst s8  }
0x11: {  	[smem:$0x3FB7] =	sst s9;
	s0 =	simm.s32 @!p0 $0x0  }
0x12: {  	s1 =	sld [smem:$0x3F9D];
	s0 =	simm.s32 @p0 $0x1  }
0x13: {  	[smem:$0x3FB8] =	sst s0;
	s0 =	simm.s32 @!p1 $0x0  }
0x14: {  	s2 =	sld [smem:$0x3F9C];
	s0 =	simm.s32 @p1 $0x1  }
0x15: {  	[smem:$0x3FB9] =	sst s0;
	s0 =	simm.s32 @!p2 $0x0  }
0x16: {  	s3 =	sld [smem:$0x3FDB];
	s0 =	simm.s32 @p2 $0x1  }
0x17: {  	s4 =	simm.s32 $0x1BF5;
	[smem:$0x3FBB] =	sst s0  }
0x18: {  	s0 =	sld [smem:$0x3F9E];
	_ =	swait.ge [sflag:s4], $0x0  }
0x19: {  	s7 =	sld [smem:$0x3F9F]  }
0x1a: {  	s8 =	sadd.s32 $0xFFFFE003, lr  }
0x1b: {  	s9 =	sadd.s32 $0xFFFFFEF7, lr;
	s5 =	simm.s32 $0xFFFFFFFF;
	p2 =	slt.u32 s8, $0xFFFFF086  }
0x1c: {  	p1 =	slt.u32 s9, $0xF7A;
	s5 =	simm.s32 @!p2 $0x0  }
0x1d: {  	s5 =	simm.s32 @p1 $0x1;
	p0 =	seq.s32 s7, s2  }
0x1e: {  	s7 =	smul.u32 @!p0 $0xF7A, s2;
	p2 =	seq.s32 @!p0 s5, $0x0  }
0x1f: {  	s9 =	smul.u32 $0xF7A, s1;
	s8 =	simm.s32 @!p0 $0x1BF5;
	p2 =	por !p2, p0  }
0x20: {  	[sflag:s8] =	ssyncset.s32 @!p0 $0xFFFFF086;
	s6 =	sadd.s32 @!p0 s3, s7;
	s7 =	simm.s32 @!p0 $0x108  }
0x21: {  	s3 =	sadd.s32 s3, s9;
	s6 =	sadd.s32 @!p0 $0x88, s6;
	s7 =	simm.s32 @p2 $0x1082  }
0x22: {  	[simem:s7], [sflag:s8] =	dma.local @!p0 [hbm:s6], $0xF7A  }
0x23: {  	s9 =	sor.u32 $0xD0000000, s2;
	s6 =	simm.s32 $0x108;
	_ =	swait.ge @!p0 [sflag:s8], $0x0  }
0x24: {  	s3 =	sadd.s32 $0x88, s3;
	s6 =	simm.s32 @!p1 $0x1082;
	[sflag:s4] =	ssyncset.s32 $0xFFFFF086  }
0x25: {  	[simem:s6], [sflag:s4] =	dma.local [hbm:s3], $0xF7A  }
0x26: {  	[smem:$0x3F9F] =	sst s1;
	(tag) =	ssettag s2;
	_ =	strace s9  }
0x27: {  	s1 =	sld [smem:$0x3FAF]  }
0x28: {  	s2 =	sld [smem:$0x3FB0]  }
0x29: {  	s4 =	sld [smem:$0x3FB2]  }
0x2a: {  	p0 =	seq.s32 s5, $0x0;
	s5 =	sld [smem:$0x3FB3]  }
0x2b: {  	s6 =	sld [smem:$0x3FB4]  }
0x2c: {  	s7 =	sld [smem:$0x3FB5]  }
0x2d: {  	s3 =	simm.s32 $0x108;
	s8 =	sld [smem:$0x3FB6]  }
0x2e: {  	s3 =	simm.s32 @!p0 $0x1082;
	s9 =	sld [smem:$0x3FB7]  }
0x2f: {  	lr =	sadd.s32 s0, s3;
	s0 =	sld [smem:$0x3FAE]  }
0x30: {  	s3 =	sld [smem:$0x3FB1]  }
0x31: {  	[smem:$0x3FBA] =	sst s10  }
0x32: {  	s10 =	sld [smem:$0x3FB8];
	_ =	sdelay $0x3  }
0x33: {  	p0 =	seq.s32 s10, $0x1;
	s10 =	sld [smem:$0x3FBA];
	_ =	sdelay $0x3  }
0x34: {  	[smem:$0x3FBA] =	sst s10  }
0x35: {  	s10 =	sld [smem:$0x3FB9];
	_ =	sdelay $0x3  }
0x36: {  	p1 =	seq.s32 s10, $0x1;
	s10 =	sld [smem:$0x3FBA];
	_ =	sdelay $0x3  }
0x37: {  	[smem:$0x3FBA] =	sst s10  }
0x38: {  	s10 =	sld [smem:$0x3FBB]  }
0x39: {  	_ = 	snop;
	(pc) =	sbr.ind lr, $3  }
0x3a: {  	_ = 	snop  }
0x3b: {  	_ = 	snop  }
0x3c: {  	p2 =	seq.s32 s10, $0x1;
	s10 =	sld [smem:$0x3FBA]  }
0x3d: {  	_ =	shalt  }
0x3e: {  	_ =	shalt  }
0x3f: {  	_ =	shalt  }
0x40: {  	_ =	shalt  }
0x41: {  	_ =	shalt  }
0x42: {  	_ =	shalt  }
0x43: {  	_ =	shalt  }
0x44: {  	_ =	shalt  }
0x45: {  	_ =	shalt  }
0x46: {  	_ =	shalt  }
0x47: {  	_ =	shalt  }
0x48: {  	_ =	shalt  }
0x49: {  	_ =	shalt  }
0x4a: {  	_ =	shalt  }
0x4b: {  	_ =	shalt  }
0x4c: {  	_ =	shalt  }
0x4d: {  	_ =	shalt  }
0x4e: {  	_ =	shalt  }
0x4f: {  	_ =	shalt  }
0x50: {  	_ =	shalt  }
0x51: {  	_ =	shalt  }
0x52: {  	_ =	shalt  }
0x53: {  	_ =	shalt  }
0x54: {  	_ =	shalt  }
0x55: {  	_ =	shalt  }
0x56: {  	_ =	shalt  }
0x57: {  	_ =	shalt  }
0x58: {  	_ =	shalt  }
0x59: {  	_ =	shalt  }
0x5a: {  	_ =	shalt  }
0x5b: {  	_ =	shalt  }
0x5c: {  	_ =	shalt  }
0x5d: {  	_ =	shalt  }
0x5e: {  	_ =	shalt  }
0x5f: {  	_ =	shalt  }
0x60: {  	_ =	shalt  }
0x61: {  	_ =	shalt  }
0x62: {  	_ =	shalt  }
0x63: {  	_ =	shalt  }
0x64: {  	_ =	shalt  }
0x65: {  	_ =	shalt  }
0x66: {  	_ =	shalt  }
0x67: {  	_ =	shalt  }
0x68: {  	_ =	shalt  }
0x69: {  	_ =	shalt  }
0x6a: {  	_ =	shalt  }
0x6b: {  	_ =	shalt  }
0x6c: {  	_ =	shalt  }
0x6d: {  	_ =	shalt  }
0x6e: {  	_ =	shalt  }
0x6f: {  	_ =	shalt  }
0x70: {  	_ =	shalt  }
0x71: {  	_ =	shalt  }
0x72: {  	_ =	shalt  }
0x73: {  	_ =	shalt  }
0x74: {  	_ =	shalt  }
0x75: {  	_ =	shalt  }
0x76: {  	_ =	shalt  }
0x77: {  	_ =	shalt  }
0x78: {  	_ =	shalt  }
0x79: {  	_ =	shalt  }
0x7a: {  	_ =	shalt  }
0x7b: {  	_ =	shalt  }
0x7c: {  	_ =	shalt  }
0x7d: {  	_ =	shalt  }
0x7e: {  	_ =	shalt  }
0x7f: {  	_ =	shalt  }
0x80: {  	_ =	shalt  }
0x81: {  	_ =	shalt  }
0x82: {  	_ =	shalt  }
0x83: {  	_ =	shalt  }
0x84: {  	_ =	shalt  }
0x85: {  	_ =	shalt  }
0x86: {  	_ =	shalt  }
0x87: {  	_ =	shalt  }
.Lfunc_end0:
.L_simem_size_0:
called_computation_lowered:
.L_overlay_start_0:
0x88: {  	s2 =	sld [smem:$0x3FD9]  }
0x89: {  	s3 =	sld [smem:$0x3FFE];
	_ =	sdelay $0x1  }
0x8a: {  	s1 =	srdreg.scid  }
0x8b: {  	s0 =	sand.u32 $0x1, s1  }
0x8c: {  	s17 =	sshll.u32 s0, $0xA;
	s2 =	sadd.s32 s3, s2  }
0x8d: {  	s2 =	sadd.s32 s2, s17  }
0x8e: {  	[smem:$0x3FC6] =	sst s2  }
0x8f: {  	_ = 	snop  }
0x90: {  	s2 =	sld [smem:$0x3FC9]  }
0x91: {  	s18 =	sld [smem:$0x3FD0];
	(tm) =	ssettm $0x1  }
0x92: {  	s4 =	sld [smem:$0x3FFB];
	_ =	sdelay $0x3  }
0x93: {  	_ =	strace s4  }
0x94: {  	s4 =	sld [smem:$0x3FFC];
	_ =	sdelay $0x3  }
0x95: {  	_ =	strace s4  }
0x96: {  	s4 =	sld [smem:$0x3FFD];
	_ =	sdelay $0x3  }
0x97: {  	_ =	strace s4  }
0x98: {  	_ =	strace $0x8FFFFFFF  }
0x99: {  	s19 =	sld [smem:$0x3FDB];
	_ =	sdelay $0x1  }
0x9a: {  	s5 =	simm.s32 $_scs_section_size  }
0x9b: {  	s6 =	simm.s32 $_size__tile_overlayer_lowered;
	s7 =	simm.s32 $_tile_overlayer_lowered  }
0x9c: {  	s22 =	simm.s32 $0x1BFF;
	s21 =	sshll.u32 s7, $0x1;
	s4 =	sadd.s32 s5, s19  }
0x9d: {  	s8 =	simm.s32 $0x0;
	s20 =	sshll.u32 s6, $0x1;
	s6 =	sadd.s32 s21, s4  }
0x9e: {  	[timem:s8], [sflag:s22] =	dma.local [hbm:s6], s20  }
0x9f: {  	_ =	swait.ge [sflag:s22], s20  }
0xa0: {  	s5 =	ssub.s32 $0x0, s20;
	[sflag:s22] =	ssyncset.done $0x0  }
0xa1: {  	[sflag:s22] =	ssyncadd.s32 s5;
	_ =	sdelay $0x1  }
0xa2: {  	s23 =	simm.s32 $0x1B8B  }
0xa3: {  	_ =	swait.ge [sflag:s23], $0x1  }
0xa4: {  	[sflag:s23] =	ssyncset.done $0x0  }
0xa5: {  	s25 =	simm.s32 $0x1B8E;
	s24 =	sld [smem:$0x3FFE];
	[sflag:s23] =	ssyncadd.s32 $0xFFFFFFFF  }
0xa6: {  	s26 =	simm.s32 $execute0_lowered;
	[smem:$0x3FD2] =	sst s25  }
0xa7: {  	s6 =	sshll.u32 s26, $0x1;
	_ =	strace $0x80000046;
	[dreg:$0x1] =	wrdreg $0xFFFFFFFF  }
0xa8: {  	s28 =	simm.s32 $_size_execute0_lowered;
	s4 =	sadd.s32 s4, s6;
	[dreg:$0x0] =	wrdreg $0x0  }
0xa9: {  	s6 =	sshll.u32 s28, $0x1;
	[dreg:$0x2] =	wrdreg s4  }
0xaa: {  	[dreg:$0x3] =	wrdreg s6  }
0xab: {  	[dreg:$0x4] =	wrdreg $0xC0  }
0xac: {  	_ =	task [dreg:s8], $0x5FFFF  }
0xad: {  	[dreg:$0x1] =	wrdreg $0xFFFFFFFF  }
0xae: {  	[dreg:$0x0] =	wrdreg $0x60  }
0xaf: {  	[dreg:$0x2] =	wrdreg s2  }
0xb0: {  	[dreg:$0x3] =	wrdreg s24  }
0xb1: {  	[dreg:$0x4] =	wrdreg s18  }
0xb2: {  	[dreg:$0x5] =	wrdreg $0x8B000  }
0xb3: {  	[dreg:$0x6] =	wrdreg $0x9  }
0xb4: {  	_ =	task.clear_ibuf [dreg:s8], $0x7FFFF;
	_ =	strace $0x90000046  }
0xb5: {  	s29 =	simm.s32 $0x9;
	_ =	strace $0x80000048  }
0xb6: {  	_ =	swait.ge [sflag:s29], $0x1  }
0xb7: {  	[sflag:s29] =	ssyncadd.s32 $0xFFFFFFFF  }
0xb8: {  	_ =	strace $0x90000048  }
0xb9: {  	_ =	sfence  }
0xba: {  	s30 =	sld [smem:$0x0];
	_ =	sdelay $0x2  }
0xbb: {  	s31 =	sshll.u32 s1, $0xD;
	s1 =	sshrl.u32 s1, $0x2  }
0xbc: {  	s3 =	sand.u32 $0x4000, s31;
	s1 =	sadd.s32 s1, s30  }
0xbd: {  	s0 =	sor.u32 s3, s0;
	s1 =	sshll.u32 s1, $0x11  }
0xbe: {  	s0 =	sor.u32 s1, s0  }
0xbf: {  	s0 =	sadd.s32 $0x8F2B, s0  }
0xc0: {  	[sflag:s0] =	ssyncadd.remote.s32 $0x1  }
0xc1: {  	_ =	sfence.sel $0xFFFF  }
0xc2: {  	[dreg:$0x0] =	wrdreg $0xFFFFFFFF;
	(pc) =	sbr.abs _section_cstart, $3  }
0xc3: {  	[dreg:$0x1] =	wrdreg $0xFFFFFFFF  }
0xc4: {  	_ =	task.clear_ibuf [dreg:s8], $0x2FFFF;
	_ =	strace $0x9FFFFFFF  }
0xc5: {  	(tm) =	ssettm $0x7FFFFFFF  }
tec
execute0_lowered:
.L_overlay_start_1:
0x0: {  	(tag) =	ssettag $0x1  }
0x1: {  	s1 =	rddreg [dreg:$0x0]  }
0x2: {  	s2 =	rddreg [dreg:$0x1]  }
0x3: {  	s4 =	rddreg [dreg:$0x2];
	s0 =	srdreg.scid  }
0x4: {  	s13 =	stileid.u32;
	s5 =	rddreg [dreg:$0x3]  }
0x5: {  	s6 =	simm.s32 $0x0;
	s28 =	simm.s32 $0x180;
	s29 =	simm.s32 $0x200  }
0x6: {  	s30 =	simm.s32 $0x6;
	s31 =	simm.s32 $0x3;
	s9 =	smul.u32 $0x4E000, s13  }
0x7: {  	s0 =	sand.u32 $0x1, s0;
	s3 =	sshll.u32 s13, $0x1;
	s18 =	smul.u32 $0x13800, s13  }
0x8: {  	[smem:$0x7FF] =	sst s6;
	s11 =	sadd.s32 $0x9E00, s2;
	s20 =	smul.u32 $0x4E20, s13  }
0x9: {  	s16 =	sadd.s32 $0x138000, s5;
	p0 =	sne.s32 s13, $0xF;
	s13 =	simm.s32 $0x8300  }
0xa: {  	s3 =	sor.u32 s0, s3;
	s7 =	ssub.s32 $0x2, s0;
	s15 =	smul.u32 $0x138800, s0  }
0xb: {  	_ =	strace $0x80000047;
	s0 =	smul.u32 $0x2710, s0;
	s8 =	sshrl.u32 s7, $0x1  }
0xc: {  	s3 =	smul.u32 $0x2710, s3;
	s9 =	sshrl.u32 s9, $0x2;
	s7 =	ssub.s32 s7, s8  }
0xd: {  	s22 =	sadd.s32 s18, s15;
	s23 =	sshrl.u32 s15, $0x3;
	s0 =	sadd.s32 s0, s20  }
0xe: {  	s15 =	simm.s32 $0x0;
	s3 =	sshrl.u32 s3, $0x3;
	s7 =	smax.u32 s7, $0x1  }
0xf: {  	s24 =	sadd.s32 $0x180, s0;
	s10 =	sadd.s32 s2, s3;
	[dreg:$0x11] =	wrdreg s7  }
0x10: {  	s12 =	sadd.s32 s4, s3;
	s14 =	sadd.s32 $0x10, s3;
	[dreg:$0x5] =	wrdreg s10  }
0x11: {  	s3 =	sadd.s32 $0x4E0, s3;
	[dreg:$0x6] =	wrdreg s12;
	s10 =	sadd.s32 s2, s14  }
0x12: {  	s26 =	sshrl.u32 s24, $0x3;
	s8 =	sadd.s32 s4, s14;
	[dreg:$0x7] =	wrdreg s10  }
0x13: {  	s24 =	sadd.s32 $0x100, s0;
	s21 =	sadd.s32 s2, s3;
	[dreg:$0x8] =	wrdreg s8  }
0x14: {  	s0 =	simm.s32 $0x4200;
	s3 =	sadd.s32 s4, s3;
	[dreg:$0xd] =	wrdreg s21  }
0x15: {  	s7 =	simm.s32 $0x1;
	s10 =	sadd.s32 s9, s5;
	[dreg:$0xe] =	wrdreg s3  }
0x16: {  	s3 =	sshrl.u32 s22, $0x3;
	s8 =	sadd.s32 s11, s23;
	s17 =	sadd.s32 $0x4000, s10  }
0x17: {  	s22 =	sadd.s32 s26, s4;
	s12 =	sadd.s32 $0x8000, s10;
	[dreg:$0x9] =	wrdreg s17  }
0x18: {  	s23 =	sadd.s32 s26, s2;
	s19 =	sadd.s32 $0xC000, s10;
	[dreg:$0xa] =	wrdreg s12  }
0x19: {  	s26 =	simm.s32 $0x80;
	s14 =	sadd.s32 $0x10000, s10;
	[dreg:$0xb] =	wrdreg s19  }
0x1a: {  	s9 =	simm.s32 $0x8200;
	s3 =	sadd.s32 s11, s3;
	[dreg:$0xc] =	wrdreg s14  }
0x1b: {  	s25 =	sadd.s32 $0x27000, s8;
	s8 =	simm.s32 $0x2;
	[dreg:$0xf] =	wrdreg s3  }
0x1c: {  	s11 =	simm.s32 $0x8280;
	[dreg:$0x10] =	wrdreg s25;
	s25 =	simm.s32 $0x100  }
0x1d: {  	v0 =	vimm.f32 $0.0e+00;
	s3 =	simm.s32 $0x4;
	s12 =	simm.s32 $0x10;
	s14 =	simm.s32 $0x5  }
.LBB2_1:
0x1e: {  	s17 =	rddreg [dreg:$0x5]  }
0x1f: {  	[tilespmem:s6], [sflag:$0x3] =	stream.linear.gather [hbm4b:s17+s6], $0x80, $0x38;
	[tilespmem:$0x1C380] =	vst v63  }
0x20: {  	s19 =	rddreg [dreg:$0x6]  }
0x21: {  	[tilespmem:s25], [sflag:$0x3] =	stream.linear.gather [hbm4b:s19+s6], $0x80, $0x38;
	[tilespmem:$0x1C380] =	vst v63  }
0x22: {  	s20 =	rddreg [dreg:$0x7]  }
0x23: {  	[tilespmem:s26], [sflag:$0x4] =	stream.linear.gather [hbm4b:s20+s6], $0x80, $0x38;
	[tilespmem:$0x1C380] =	vst v63  }
0x24: {  	s21 =	rddreg [dreg:$0x8];
	s18 =	simm.s32 $0x200;
	s17 =	simm.s32 $0x0  }
0x25: {  	[tilespmem:s28], [sflag:$0x4] =	stream.linear.gather [hbm4b:s21+s6], $0x80, $0x38;
	[tilespmem:$0x1C380] =	vst v63  }
.LBB2_2:
0x26: {  	p1 =	sne.s32 s18, $0xFE00;
	[tilespmem:s17+$0x270] =	vst v0  }
0x27: {  	[tilespmem:s17+$0x200] =	vst v0  }
0x28: {  	[tilespmem:s17+$0x210] =	vst v0  }
.Ltmp0:
0x29: {  	[tilespmem:s17+$0x220] =	vst v0;
	(pc) =	sbr.rel @p1 .LBB2_2-.Ltmp0, $4  }
0x2a: {  	[tilespmem:s17+$0x230] =	vst v0  }
0x2b: {  	[tilespmem:s17+$0x240] =	vst v0  }
0x2c: {  	[tilespmem:s17+$0x250] =	vst v0  }
0x2d: {  	[tilespmem:s17+$0x260] =	vst v0;
	s17 =	sshra.s32 s18, $0x2;
	s18 =	sadd.s32 $0x200, s18  }
0x2e: {  	[tilespmem:s17+$0x270] =	vst v0  }
0x2f: {  	[tilespmem:s17+$0x200] =	vst v0  }
0x30: {  	[tilespmem:s17+$0x210] =	vst v0  }
0x31: {  	[tilespmem:s17+$0x220] =	vst v0  }
0x32: {  	[tilespmem:s17+$0x230] =	vst v0  }
0x33: {  	[tilespmem:s17+$0x240] =	vst v0  }
0x34: {  	[tilespmem:s17+$0x250] =	vst v0  }
0x35: {  	[tilespmem:s17+$0x260] =	vst v0  }
0x36: {  	[spmem:s10] =	stream.linear.scatter [tilespmem:s29], [sflag:$0x6], $0x4000, $0x38;
	[tilespmem:$0x1C380] =	vst v63  }
0x37: {  	_ =	swait.ge [sflag:s30], $0x4000  }
0x38: {  	[sflag:s30] =	ssyncset.done $0x0  }
0x39: {  	s19 =	rddreg [dreg:$0x9];
	[sflag:s30] =	ssyncadd.s32 $0xFFFFC000  }
0x3a: {  	[spmem:s19] =	stream.linear.scatter [tilespmem:s29], [sflag:$0x6], $0x4000, $0x38;
	[tilespmem:$0x1C380] =	vst v63  }
0x3b: {  	_ =	swait.ge [sflag:s30], $0x4000  }
0x3c: {  	[sflag:s30] =	ssyncset.done $0x0  }
0x3d: {  	s20 =	rddreg [dreg:$0xa];
	[sflag:s30] =	ssyncadd.s32 $0xFFFFC000  }
0x3e: {  	[spmem:s20] =	stream.linear.scatter [tilespmem:s29], [sflag:$0x6], $0x4000, $0x38;
	[tilespmem:$0x1C380] =	vst v63  }
0x3f: {  	_ =	swait.ge [sflag:s30], $0x4000  }
0x40: {  	[sflag:s30] =	ssyncset.done $0x0  }
0x41: {  	s21 =	rddreg [dreg:$0xb];
	[sflag:s30] =	ssyncadd.s32 $0xFFFFC000  }
0x42: {  	[spmem:s21] =	stream.linear.scatter [tilespmem:s29], [sflag:$0x6], $0x4000, $0x38;
	[tilespmem:$0x1C380] =	vst v63  }
0x43: {  	_ =	swait.ge [sflag:s30], $0x4000  }
0x44: {  	[sflag:s30] =	ssyncset.done $0x0  }
0x45: {  	s18 =	rddreg [dreg:$0xc];
	[sflag:s30] =	ssyncadd.s32 $0xFFFFC000  }
0x46: {  	[spmem:s18] =	stream.linear.scatter [tilespmem:s29], [sflag:$0x6], $0x3800, $0x38;
	[tilespmem:$0x1C380] =	vst v63  }
0x47: {  	_ =	swait.ge [sflag:s30], $0x3800  }
0x48: {  	[sflag:s30] =	ssyncset.done $0x0  }
0x49: {  	s17 =	simm.s32 @!p0 $0x200;
	[sflag:s30] =	ssyncadd.s32 $0xFFFFC800  }
0x4a: {  	[spmem:s16] =	stream.linear.scatter @!p0 [tilespmem:s17], [sflag:$0x6], $0x800, $0x38;
	[tilespmem:$0x1C380] =	vst v63  }
0x4b: {  	s17 =	simm.s32 @!p0 $0x6  }
0x4c: {  	_ =	swait.ge @!p0 [sflag:s17], $0x800  }
0x4d: {  	[sflag:s17] =	ssyncset.done @!p0 $0x0  }
0x4e: {  	[sflag:s17] =	ssyncadd.s32 @!p0 $0xFFFFF800  }
0x4f: {  	_ =	swait.ge [sflag:s31], $0x80  }
0x50: {  	[sflag:s31] =	ssyncset.done $0x0  }
0x51: {  	[sflag:s31] =	ssyncadd.s32 $0xFFFFFF80  }
0x52: {  	_ =	swait.ge [sflag:s31], $0x80  }
0x53: {  	[sflag:s31] =	ssyncset.done $0x0  }
0x54: {  	s19 =	simm.s32 $0x0;
	[sflag:s31] =	ssyncadd.s32 $0xFFFFFF80  }
0x55: {  	[tilespmem:s29], [sflag:$0x1] =	stream.indirect.gather [hbm4b:s1+s26], $0x80, s19, s26, $0xb8;
	[tilespmem:$0x1C380] =	vst v63  }
0x56: {  	[bflag:$0x0] =	sbarrier.arrive $0xFFFF  }
0x57: {  	_ =	swait.ge [sflag:s3], $0x80  }
0x58: {  	[sflag:s3] =	ssyncset.done $0x0  }
0x59: {  	[sflag:s3] =	ssyncadd.s32 $0xFFFFFF80  }
0x5a: {  	_ =	swait.ge [sflag:s3], $0x80  }
0x5b: {  	[sflag:s3] =	ssyncset.done $0x0  }
0x5c: {  	[sflag:s3] =	ssyncadd.s32 $0xFFFFFF80  }
0x5d: {  	[tilespmem:s0], [sflag:$0x2] =	stream.indirect.gather [hbm4b:s1+s26], $0x80, s26, s26, $0xb8;
	[tilespmem:$0x1C380] =	vst v63  }
0x5e: {  	_ =	swait.ge [sflag:s7], $0x4000  }
0x5f: {  	[sflag:s7] =	ssyncset.done $0x0  }
0x60: {  	[sflag:s7] =	ssyncadd.s32 $0xFFFFC000  }
0x61: {  	[spmem:s5] =	stream.indirect.scatter.add.f32 [tilespmem:s29], [sflag:$0x6], $0x80, s25, s26, $0xb8;
	[tilespmem:$0x1C380] =	vst v63  }
0x62: {  	_ =	swait.ge [sflag:s30], $0x4000  }
0x63: {  	s20 =	sshrl.u32 s24, $0x3;
	[sflag:s30] =	ssyncset.done $0x0  }
0x64: {  	s18 =	sadd.s32 s2, s20;
	[sflag:s30] =	ssyncadd.s32 $0xFFFFC000  }
0x65: {  	[tilespmem:s6], [sflag:$0x3] =	stream.linear.gather [hbm4b:s18+s6], $0x80, $0x38;
	[tilespmem:$0x1C380] =	vst v63  }
0x66: {  	s17 =	sadd.s32 s4, s20  }
0x67: {  	[tilespmem:s25], [sflag:$0x3] =	stream.linear.gather [hbm4b:s17+s6], $0x80, $0x38;
	[tilespmem:$0x1C380] =	vst v63  }
0x68: {  	_ =	swait.ge [sflag:s31], $0x80  }
0x69: {  	[sflag:s31] =	ssyncset.done $0x0  }
0x6a: {  	[sflag:s31] =	ssyncadd.s32 $0xFFFFFF80  }
0x6b: {  	_ =	swait.ge [sflag:s31], $0x80  }
0x6c: {  	[sflag:s31] =	ssyncset.done $0x0  }
0x6d: {  	[sflag:s31] =	ssyncadd.s32 $0xFFFFFF80  }
0x6e: {  	[tilespmem:s29], [sflag:$0x1] =	stream.indirect.gather [hbm4b:s1+s26], $0x80, s6, s26, $0xb8;
	[tilespmem:$0x1C380] =	vst v63  }
0x6f: {  	_ =	swait.ge [sflag:s8], $0x4000  }
0x70: {  	[sflag:s8] =	ssyncset.done $0x0  }
0x71: {  	[sflag:s8] =	ssyncadd.s32 $0xFFFFC000  }
0x72: {  	[spmem:s5] =	stream.indirect.scatter.add.f32 [tilespmem:s0], [sflag:$0x6], $0x80, s28, s26, $0xb8;
	[tilespmem:$0x1C380] =	vst v63  }
0x73: {  	_ =	swait.ge [sflag:s30], $0x4000  }
0x74: {  	s21 =	sadd.s32 $0x0, s23;
	s19 =	sadd.s32 $0x0, s22;
	[sflag:s30] =	ssyncset.done $0x0  }
0x75: {  	s18 =	sadd.s32 $0x100, s24;
	s17 =	simm.s32 $0x20;
	[sflag:s30] =	ssyncadd.s32 $0xFFFFC000  }
0x76: {  	[tilespmem:s26], [sflag:$0x4] =	stream.linear.gather [hbm4b:s21+s6], $0x80, $0x38;
	[tilespmem:$0x1C380] =	vst v63  }
.LBB2_4:
0x77: {  	[tilespmem:s28], [sflag:$0x4] =	stream.linear.gather [hbm4b:s19+s6], $0x80, $0x38;
	[tilespmem:$0x1C380] =	vst v63  }
0x78: {  	s19 =	smov.u32 s17  }
0x79: {  	p1 =	sne.s32 s17, $0x4A0;
	s17 =	sadd.s32 $0x20, s17;
	_ =	swait.ge [sflag:s3], $0x80  }
0x7a: {  	[sflag:s3] =	ssyncset.done $0x0  }
0x7b: {  	[sflag:s3] =	ssyncadd.s32 $0xFFFFFF80  }
0x7c: {  	_ =	swait.ge [sflag:s3], $0x80  }
0x7d: {  	[sflag:s3] =	ssyncset.done $0x0  }
0x7e: {  	[sflag:s3] =	ssyncadd.s32 $0xFFFFFF80  }
0x7f: {  	[tilespmem:s0], [sflag:$0x2] =	stream.indirect.gather [hbm4b:s1+s26], $0x80, s26, s26, $0xb8;
	[tilespmem:$0x1C380] =	vst v63  }
0x80: {  	_ =	swait.ge [sflag:s7], $0x4000  }
0x81: {  	[sflag:s7] =	ssyncset.done $0x0  }
0x82: {  	[sflag:s7] =	ssyncadd.s32 $0xFFFFC000  }
0x83: {  	[spmem:s5] =	stream.indirect.scatter.add.f32 [tilespmem:s29], [sflag:$0x6], $0x80, s25, s26, $0xb8;
	[tilespmem:$0x1C380] =	vst v63  }
0x84: {  	_ =	swait.ge [sflag:s30], $0x4000  }
0x85: {  	s20 =	sshrl.u32 s18, $0x3;
	[sflag:s30] =	ssyncset.done $0x0  }
0x86: {  	s21 =	sadd.s32 s2, s20;
	[sflag:s30] =	ssyncadd.s32 $0xFFFFC000  }
0x87: {  	[tilespmem:s6], [sflag:$0x3] =	stream.linear.gather [hbm4b:s21+s6], $0x80, $0x38;
	[tilespmem:$0x1C380] =	vst v63  }
0x88: {  	s20 =	sadd.s32 s4, s20  }
0x89: {  	[tilespmem:s25], [sflag:$0x3] =	stream.linear.gather [hbm4b:s20+s6], $0x80, $0x38;
	[tilespmem:$0x1C380] =	vst v63  }
0x8a: {  	_ =	swait.ge [sflag:s31], $0x80  }
0x8b: {  	[sflag:s31] =	ssyncset.done $0x0  }
0x8c: {  	[sflag:s31] =	ssyncadd.s32 $0xFFFFFF80  }
0x8d: {  	_ =	swait.ge [sflag:s31], $0x80  }
0x8e: {  	[sflag:s31] =	ssyncset.done $0x0  }
0x8f: {  	[sflag:s31] =	ssyncadd.s32 $0xFFFFFF80  }
0x90: {  	[tilespmem:s29], [sflag:$0x1] =	stream.indirect.gather [hbm4b:s1+s26], $0x80, s6, s26, $0xb8;
	[tilespmem:$0x1C380] =	vst v63  }
0x91: {  	_ =	swait.ge [sflag:s8], $0x4000  }
0x92: {  	[sflag:s8] =	ssyncset.done $0x0  }
0x93: {  	[sflag:s8] =	ssyncadd.s32 $0xFFFFC000  }
0x94: {  	[spmem:s5] =	stream.indirect.scatter.add.f32 [tilespmem:s0], [sflag:$0x6], $0x80, s28, s26, $0xb8;
	[tilespmem:$0x1C380] =	vst v63  }
.Ltmp1:
0x95: {  	_ =	swait.ge [sflag:s30], $0x4000;
	(pc) =	sbr.rel @p1 .LBB2_4-.Ltmp1, $4  }
0x96: {  	[sflag:s30] =	ssyncset.done $0x0  }
0x97: {  	s20 =	sadd.s32 s19, s23;
	[sflag:s30] =	ssyncadd.s32 $0xFFFFC000  }
0x98: {  	[tilespmem:s26], [sflag:$0x4] =	stream.linear.gather [hbm4b:s20+s6], $0x80, $0x38;
	[tilespmem:$0x1C380] =	vst v63  }
0x99: {  	s18 =	sadd.s32 $0x100, s18;
	s19 =	sadd.s32 s19, s22  }
0x9a: {  	[tilespmem:s28], [sflag:$0x4] =	stream.linear.gather [hbm4b:s19+s6], $0x80, $0x38;
	[tilespmem:$0x1C380] =	vst v63  }
0x9b: {  	_ =	swait.ge [sflag:s3], $0x80  }
0x9c: {  	[sflag:s3] =	ssyncset.done $0x0  }
0x9d: {  	[sflag:s3] =	ssyncadd.s32 $0xFFFFFF80  }
0x9e: {  	_ =	swait.ge [sflag:s3], $0x80  }
0x9f: {  	[sflag:s3] =	ssyncset.done $0x0  }
0xa0: {  	[sflag:s3] =	ssyncadd.s32 $0xFFFFFF80  }
0xa1: {  	[tilespmem:s0], [sflag:$0x2] =	stream.indirect.gather [hbm4b:s1+s26], $0x80, s26, s26, $0xb8;
	[tilespmem:$0x1C380] =	vst v63  }
0xa2: {  	_ =	swait.ge [sflag:s7], $0x4000  }
0xa3: {  	[sflag:s7] =	ssyncset.done $0x0  }
0xa4: {  	[sflag:s7] =	ssyncadd.s32 $0xFFFFC000  }
0xa5: {  	[spmem:s5] =	stream.indirect.scatter.add.f32 [tilespmem:s29], [sflag:$0x6], $0x80, s25, s26, $0xb8;
	[tilespmem:$0x1C380] =	vst v63  }
0xa6: {  	_ =	swait.ge [sflag:s30], $0x4000  }
0xa7: {  	[sflag:s30] =	ssyncset.done $0x0  }
0xa8: {  	[sflag:s30] =	ssyncadd.s32 $0xFFFFC000  }
0xa9: {  	_ =	swait.ge [sflag:s8], $0x4000  }
0xaa: {  	[sflag:s8] =	ssyncset.done $0x0  }
0xab: {  	[sflag:s8] =	ssyncadd.s32 $0xFFFFC000  }
0xac: {  	[spmem:s5] =	stream.indirect.scatter.add.f32 [tilespmem:s0], [sflag:$0x6], $0x80, s28, s26, $0xb8;
	[tilespmem:$0x1C380] =	vst v63  }
0xad: {  	_ =	swait.ge [sflag:s30], $0x4000  }
0xae: {  	[sflag:s30] =	ssyncset.done $0x0  }
0xaf: {  	s17 =	rddreg [dreg:$0xd];
	[sflag:s30] =	ssyncadd.s32 $0xFFFFC000  }
0xb0: {  	[tilespmem:s9], [sflag:$0x6] =	stream.linear.gather [hbm4b:s17+s6], $0x10, $0x38;
	[tilespmem:$0x1C380] =	vst v63  }
0xb1: {  	_ =	swait.ge [sflag:s30], $0x10  }
0xb2: {  	[sflag:s30] =	ssyncset.done $0x0  }
0xb3: {  	s18 =	rddreg [dreg:$0xe];
	[sflag:s30] =	ssyncadd.s32 $0xFFFFFFF0  }
0xb4: {  	[tilespmem:s11], [sflag:$0x6] =	stream.linear.gather [hbm4b:s18+s6], $0x10, $0x38;
	[tilespmem:$0x1C380] =	vst v63  }
0xb5: {  	_ =	swait.ge [sflag:s30], $0x10  }
0xb6: {  	[sflag:s30] =	ssyncset.done $0x0  }
0xb7: {  	[sflag:s30] =	ssyncadd.s32 $0xFFFFFFF0  }
0xb8: {  	[tilespmem:s13], [sflag:$0x5] =	stream.indirect.gather [hbm4b:s1+s12], $0x80, s9, s12, $0xb8;
	[tilespmem:$0x1C380] =	vst v63  }
0xb9: {  	_ =	swait.ge [sflag:s14], $0x800  }
0xba: {  	[sflag:s14] =	ssyncset.done $0x0  }
0xbb: {  	[sflag:s14] =	ssyncadd.s32 $0xFFFFF800  }
0xbc: {  	[spmem:s5] =	stream.indirect.scatter.add.f32 [tilespmem:s13], [sflag:$0x6], $0x80, s11, s12, $0xb8;
	[tilespmem:$0x1C380] =	vst v63  }
0xbd: {  	_ =	swait.ge [sflag:s30], $0x800  }
0xbe: {  	[sflag:s30] =	ssyncset.done $0x0  }
0xbf: {  	s19 =	stileid.u32;
	[sflag:s30] =	ssyncadd.s32 $0xFFFFF800  }
0xc0: {  	s17 =	sshll.u32 s19, $0x6;
	[bflag:$0x0] =	sbarrier.arrive $0xFFFF  }
0xc1: {  	s17 =	sor.u32 $0x1C06, s17;
	s18 =	sshrl.u32 s10, $0x3;
	s20 =	rddreg [dreg:$0xf]  }
0xc2: {  	[hbm:s20], [sflag:s17] =	dma.local [spmem:s18], $0x2700  }
0xc3: {  	_ =	swait.ge [sflag:s30], $0x2700  }
0xc4: {  	[sflag:s30] =	ssyncset.done $0x0  }
0xc5: {  	s18 =	sshrl.u32 @!p0 s16, $0x3;
	s19 =	rddreg [dreg:$0x10];
	[sflag:s30] =	ssyncadd.s32 $0xFFFFD900  }
0xc6: {  	[hbm:s19], [sflag:s17] =	dma.local @!p0 [spmem:s18], $0x100  }
0xc7: {  	s17 =	simm.s32 @!p0 $0x6  }
0xc8: {  	_ =	swait.ge @!p0 [sflag:s17], $0x100  }
0xc9: {  	s15 =	sadd.s32 $0x1, s15;
	s21 =	rddreg [dreg:$0x11]  }
0xca: {  	p1 =	sne.s32 s15, s21  }
.Ltmp2:
0xcb: {  	_ = 	snop;
	(pc) =	sbr.rel @p1 .LBB2_1-.Ltmp2, $3  }
0xcc: {  	_ =	sdelay $0x1  }
0xcd: {  	[sflag:s17] =	ssyncset.done @!p0 $0x0  }
0xce: {  	[sflag:s17] =	ssyncadd.s32 @!p0 $0xFFFFFF00  }
0xcf: {  	_ =	sfence.sel $0x180000  }
0xd0: {  	[bflag:$0x0] =	sbarrier.arrive $0xFFFF  }
0xd1: {  	_ =	strace $0x90000047  }
0xd2: {  	s0 =	stileid.u32;
	[bflag:$0x2] =	sbarrier.arrive $0xFFFF  }
0xd3: {  	p0 =	sne.s32 s0, $0x0;
	s0 =	rddreg [dreg:$0x4]  }
0xd4: {  	s0 =	sadd.s32 @!p0 $0x100000, s0  }
0xd5: {  	[sflag:s0] =	ssyncadd.tile.s32 @!p0 $0x1;
	_ =	shalt  }
.Lfunc_end2:
_tile_overlayer_lowered:
.L_overlay_start_2:
0xd6: {  	(tag) =	ssettag $0x2  }
0xd7: {  	s0 =	rddreg [dreg:$0x0];
	s2 =	stileid.u32  }
0xd8: {  	s1 =	rddreg [dreg:$0x1];
	p0 =	sne.s32 s2, $0x0  }
0xd9: {  	s3 =	rddreg [dreg:$0x2];
	[bflag:$0x3] =	sbarrier.arrive $0xFFFF;
	s2 =	simm.s32 @!p0 $0x1C06  }
0xda: {  	[timem:s3], [sflag:s2] =	dma.local @!p0 [hbm:s0], s1  }
0xdb: {  	s0 =	simm.s32 @!p0 $0x6  }
0xdc: {  	_ =	swait.ge @!p0 [sflag:s0], s1  }
0xdd: {  	s1 =	ssub.s32 @!p0 $0x0, s1;
	[sflag:s0] =	ssyncset.done @!p0 $0x0  }
0xde: {  	[sflag:s0] =	ssyncadd.s32 @!p0 s1  }
0xdf: {  	[bflag:$0x3] =	sbarrier.arrive $0xFFFF  }
0xe0: {  	_ =	shalt  }

</sc_bundles>
